<compile_context>
chip_gen: v7x
topology: tpu7x:2x2x1
jax: 0.10.2.dev20260603
libtpu: 0.0.44.dev20260713+nightly
codegen_flags: <defaults>
</compile_context>

<pallas_src>
import functools

import jax
import jax.numpy as jnp
from jax import lax
from jax.experimental import pallas as pl
from jax.experimental.pallas import tpu as pltpu
from jax.experimental.pallas import tpu_sc as plsc

B = 4096
L = 50
D = 128
N = B * L
NC = 2
NS = 16
NW = NC * NS
N_PER_W = N // NW
CHUNK = 128
N_CHUNKS_W = N_PER_W // CHUNK
NBUF = 5
S = 3
K = NBUF - S
T_OUT = N_CHUNKS_W // NBUF

_mesh = plsc.VectorSubcoreMesh(core_axis_name="c", subcore_axis_name="s")


@functools.partial(
    pl.kernel,
    out_type=jax.ShapeDtypeStruct((N, D), jnp.float32),
    mesh=_mesh,
    scratch_types=[
        pltpu.VMEM((N_PER_W,), jnp.int32),
        pltpu.VMEM((NBUF, CHUNK, D), jnp.float32),
        pltpu.SemaphoreType.DMA((NBUF,)),
        pltpu.SemaphoreType.DMA((NBUF,)),
    ],
)
def _sc_gather(idx_hbm, table_hbm, out_hbm, idx_v, rows_v, gsem, ssem):
    sid = lax.axis_index("s")
    wid = sid * NC + lax.axis_index("c")
    base = wid * N_PER_W
    pltpu.sync_copy(idx_hbm.at[pl.ds(base, N_PER_W)], idx_v)

    def gather(g, b):
        off = pl.multiple_of(g * CHUNK, CHUNK)
        return pltpu.make_async_copy(
            table_hbm.at[idx_v.at[pl.ds(off, CHUNK)]], rows_v.at[b],
            gsem.at[b])

    def store(g, b):
        off = pl.multiple_of(g * CHUNK, CHUNK)
        return pltpu.make_async_copy(
            rows_v.at[b], out_hbm.at[pl.ds(base + off, CHUNK)],
            ssem.at[b])

    for g0 in range(K):
        gather(g0, g0).start()

    def outer(o, carry):
        for b in range(NBUF):
            g = o * NBUF + b
            gather(g, b).wait()
            store(g, b).start()
            if b >= S:
                store(g - S, b - S).wait()

                @pl.when(o < T_OUT - 1)
                def _():
                    gather(g + K, b - S).start()
            else:
                @pl.when(o >= 1)
                def _():
                    store(g - S, b - S + NBUF).wait()

                gather(g + K, b + K).start()
        return carry

    lax.fori_loop(0, T_OUT, outer, 0)

    for b in range(NBUF - S, NBUF):
        store((T_OUT - 1) * NBUF + b, b).wait()


def kernel(x, table):
    out = _sc_gather(x.reshape(N), table)
    return out.reshape(B, L, D)

# --- scband reference (transcript-rebuilt; emitter-appended) ---
"""Pipeline reference for scband-seg-embedding-33277406609650 (READ-ONLY COPY).

The authoritative reference and input builder live on the scoring server;
editing this copy changes nothing except your own understanding.
"""

import jax, jax.numpy as jnp
import numpy as np

B = 4096
L = 50
VOCAB = 100000
D_MODEL = 128
PAD_ID = 0


def setup_inputs(seed: int = 0) -> dict:
    key = jax.random.key(seed)
    kx, kt = jax.random.split(key)
    x = jax.random.randint(kx, (B, L), 0, VOCAB, dtype=jnp.int32)
    # Embedding table; padding_idx row is zeroed (as nn.Embedding does at init).
    table = jax.random.normal(kt, (VOCAB, D_MODEL), dtype=jnp.float32) * 0.02
    table = table.at[PAD_ID].set(0.0)
    return {"x": x, "table": table}


def reference(x, table):
    # SegEmbedding.forward with is_pos=False and no pretrained init:
    # embeds = self.embedding(x)  -> plain row gather from the table.
    embeds = jnp.take(table, x, axis=0)
    return embeds

if __name__ == "__main__":
    import jax
    _d = setup_inputs()
    print(jax.jit(kernel)(*tuple(_d.values())))

</pallas_src>

<mosaic_0001>
#map = affine_map<(d0, d1) -> (0)>
#map1 = affine_map<(d0, d1) -> (0, 0)>
module attributes {stable_mosaic.version = 14 : i64} {
  func.func @_sc_gather(%arg0: i32, %arg1: i32, %arg2: memref<204800xi32, #tpu.memory_space<hbm>>, %arg3: memref<100000x128xf32, #tpu.memory_space<hbm>>, %arg4: memref<204800x128xf32, #tpu.memory_space<hbm>>, %arg5: memref<6400xi32, #tpu.memory_space<vmem>>, %arg6: memref<5x128x128xf32, #tpu.memory_space<vmem>>, %arg7: memref<5x!tpu.dma_semaphore, #tpu.memory_space<semaphore_mem>>, %arg8: memref<5x!tpu.dma_semaphore, #tpu.memory_space<semaphore_mem>>) attributes {dimension_semantics = [#tpu.dimension_semantics<core_parallel>, #tpu.dimension_semantics<subcore_parallel>], iteration_bounds = array<i64: 2, 16>, scalar_prefetch = 0 : i64, scratch_operands = 4 : i64, tpu.core_type = #tpu.core_type<sc_vector_subcore>, window_params = [{transform_indices = #map}, {transform_indices = #map1}, {transform_indices = #map1}]} {
    %mul3A = arith.constant 2 : i32
    %mul3A_0 = arith.muli %arg1, %mul3A : i32
    %add3A = arith.addi %mul3A_0, %arg0 : i32
    %mul3A_1 = arith.constant 6400 : i32
    %mul3A_2 = arith.muli %add3A, %mul3A_1 : i32
    "tpu.region"() ({
      %run_scoped3A = tpu.sem_alloc : memref<!tpu.dma_semaphore, #tpu.memory_space<semaphore_mem>>
      %dma_start3A_90 = tpu.memref_slice %arg2[%mul3A_2] : memref<204800xi32, #tpu.memory_space<hbm>> -> memref<6400xi32, #tpu.memory_space<hbm>>
      %dma_start3A_91 = tpu.memref_slice %arg2[%mul3A_2] : memref<204800xi32, #tpu.memory_space<hbm>> -> memref<6400xi32, #tpu.memory_space<hbm>>
      tpu.enqueue_dma source(%dma_start3A_91 : memref<6400xi32, #tpu.memory_space<hbm>>) target(%arg5 : memref<6400xi32, #tpu.memory_space<vmem>>) target_semaphore(%run_scoped3A : memref<!tpu.dma_semaphore, #tpu.memory_space<semaphore_mem>>)
      %dma_wait3A_92 = tpu.memref_slice %arg2[%mul3A_2] : memref<204800xi32, #tpu.memory_space<hbm>> -> memref<6400xi32, #tpu.memory_space<hbm>>
      %dma_wait3A_93 = tpu.memref_slice %arg2[%mul3A_2] : memref<204800xi32, #tpu.memory_space<hbm>> -> memref<6400xi32, #tpu.memory_space<hbm>>
      tpu.wait_dma2 semaphore(%run_scoped3A : memref<!tpu.dma_semaphore, #tpu.memory_space<semaphore_mem>>) src(%dma_wait3A_93 : memref<6400xi32, #tpu.memory_space<hbm>>) dst(%arg5 : memref<6400xi32, #tpu.memory_space<vmem>>)
      tpu.yield
    }) : () -> ()
    %multiple_of3A = arith.constant 0 : i32
    %multiple_of3A_3 = tpu.assume_multiple %multiple_of3A, 128 : i32
    %dma_start3A = arith.constant 0 : i32
    %dma_start3A_4 = arith.constant 0 : i32
    %dma_start3A_5 = arith.constant 0 : i32
    %dma_start3A_6 = arith.constant 0 : i32
    %dma_start3A_7 = tpu.memref_slice %arg6[%dma_start3A, %dma_start3A_5, %dma_start3A_6] : memref<5x128x128xf32, #tpu.memory_space<vmem>> -> memref<1x128x128xf32, #tpu.memory_space<vmem>>
    %dma_start3A_8 = tpu.memref_squeeze %dma_start3A_7 : memref<1x128x128xf32, #tpu.memory_space<vmem>> -> memref<128x128xf32, #tpu.memory_space<vmem>>
    %dma_start3A_9 = tpu.memref_slice %arg5[%multiple_of3A_3] : memref<6400xi32, #tpu.memory_space<vmem>> -> memref<128xi32, #tpu.memory_space<vmem>>
    %dma_start3A_10 = arith.constant 0 : i32
    %dma_start3A_11 = arith.constant 0 : i32
    %dma_start3A_12 = tpu.memref_slice %arg3[%dma_start3A_10, %dma_start3A_11] : memref<100000x128xf32, #tpu.memory_space<hbm>> -> memref<100000x128xf32, #tpu.memory_space<hbm>>
    %dma_start3A_13 = tpu.memref_slice %arg7[%dma_start3A_4] : memref<5x!tpu.dma_semaphore, #tpu.memory_space<semaphore_mem>> -> memref<1x!tpu.dma_semaphore, #tpu.memory_space<semaphore_mem>>
    %dma_start3A_14 = tpu.memref_squeeze %dma_start3A_13 : memref<1x!tpu.dma_semaphore, #tpu.memory_space<semaphore_mem>> -> memref<!tpu.dma_semaphore, #tpu.memory_space<semaphore_mem>>
    tpu.enqueue_indirect_dma source(%dma_start3A_12 : memref<100000x128xf32, #tpu.memory_space<hbm>>) target(%dma_start3A_8 : memref<128x128xf32, #tpu.memory_space<vmem>>) offsets(%dma_start3A_9 : memref<128xi32, #tpu.memory_space<vmem>>) semaphore(%dma_start3A_14 : memref<!tpu.dma_semaphore, #tpu.memory_space<semaphore_mem>>)
    %multiple_of3A_15 = arith.constant 128 : i32
    %multiple_of3A_16 = tpu.assume_multiple %multiple_of3A_15, 128 : i32
    %dma_start3A_17 = arith.constant 1 : i32
    %dma_start3A_18 = arith.constant 1 : i32
    %dma_start3A_19 = arith.constant 0 : i32
    %dma_start3A_20 = arith.constant 0 : i32
    %dma_start3A_21 = tpu.memref_slice %arg6[%dma_start3A_17, %dma_start3A_19, %dma_start3A_20] : memref<5x128x128xf32, #tpu.memory_space<vmem>> -> memref<1x128x128xf32, #tpu.memory_space<vmem>>
    %dma_start3A_22 = tpu.memref_squeeze %dma_start3A_21 : memref<1x128x128xf32, #tpu.memory_space<vmem>> -> memref<128x128xf32, #tpu.memory_space<vmem>>
    %dma_start3A_23 = tpu.memref_slice %arg5[%multiple_of3A_16] : memref<6400xi32, #tpu.memory_space<vmem>> -> memref<128xi32, #tpu.memory_space<vmem>>
    %dma_start3A_24 = arith.constant 0 : i32
    %dma_start3A_25 = arith.constant 0 : i32
    %dma_start3A_26 = tpu.memref_slice %arg3[%dma_start3A_24, %dma_start3A_25] : memref<100000x128xf32, #tpu.memory_space<hbm>> -> memref<100000x128xf32, #tpu.memory_space<hbm>>
    %dma_start3A_27 = tpu.memref_slice %arg7[%dma_start3A_18] : memref<5x!tpu.dma_semaphore, #tpu.memory_space<semaphore_mem>> -> memref<1x!tpu.dma_semaphore, #tpu.memory_space<semaphore_mem>>
    %dma_start3A_28 = tpu.memref_squeeze %dma_start3A_27 : memref<1x!tpu.dma_semaphore, #tpu.memory_space<semaphore_mem>> -> memref<!tpu.dma_semaphore, #tpu.memory_space<semaphore_mem>>
    tpu.enqueue_indirect_dma source(%dma_start3A_26 : memref<100000x128xf32, #tpu.memory_space<hbm>>) target(%dma_start3A_22 : memref<128x128xf32, #tpu.memory_space<vmem>>) offsets(%dma_start3A_23 : memref<128xi32, #tpu.memory_space<vmem>>) semaphore(%dma_start3A_28 : memref<!tpu.dma_semaphore, #tpu.memory_space<semaphore_mem>>)
    %scan3A = arith.constant 0 : i32
    %scan3A_29 = arith.constant 0 : i32
    %scan3A_30 = arith.constant 10 : i32
    %scan3A_31 = arith.addi %scan3A_29, %scan3A_30 : i32
    %scan3A_32 = arith.constant 1 : i32
    scf.for %scan3A_90 = %scan3A_29 to %scan3A_31 step %scan3A_32  : i32 {
      %mul3A_91 = arith.constant 5 : i32
      %mul3A_92 = arith.muli %scan3A_90, %mul3A_91 : i32
      %add3A_93 = arith.constant 0 : i32
      %add3A_94 = arith.addi %mul3A_92, %add3A_93 : i32
      %mul3A_95 = arith.constant 128 : i32
      %mul3A_96 = arith.muli %add3A_94, %mul3A_95 : i32
      %multiple_of3A_97 = tpu.assume_multiple %mul3A_96, 128 : i32
      %dma_wait3A_98 = arith.constant 0 : i32
      %dma_wait3A_99 = arith.constant 0 : i32
      %dma_wait3A_100 = arith.constant 0 : i32
      %dma_wait3A_101 = arith.constant 0 : i32
      %dma_wait3A_102 = tpu.memref_slice %arg6[%dma_wait3A_98, %dma_wait3A_100, %dma_wait3A_101] : memref<5x128x128xf32, #tpu.memory_space<vmem>> -> memref<1x128x128xf32, #tpu.memory_space<vmem>>
      %dma_wait3A_103 = tpu.memref_squeeze %dma_wait3A_102 : memref<1x128x128xf32, #tpu.memory_space<vmem>> -> memref<128x128xf32, #tpu.memory_space<vmem>>
      %dma_wait3A_104 = tpu.memref_slice %arg5[%multiple_of3A_97] : memref<6400xi32, #tpu.memory_space<vmem>> -> memref<128xi32, #tpu.memory_space<vmem>>
      %dma_wait3A_105 = arith.constant 0 : i32
      %dma_wait3A_106 = arith.constant 0 : i32
      %dma_wait3A_107 = tpu.memref_slice %arg3[%dma_wait3A_105, %dma_wait3A_106] : memref<100000x128xf32, #tpu.memory_space<hbm>> -> memref<100000x128xf32, #tpu.memory_space<hbm>>
      %dma_wait3A_108 = tpu.memref_slice %arg7[%dma_wait3A_99] : memref<5x!tpu.dma_semaphore, #tpu.memory_space<semaphore_mem>> -> memref<1x!tpu.dma_semaphore, #tpu.memory_space<semaphore_mem>>
      %dma_wait3A_109 = tpu.memref_squeeze %dma_wait3A_108 : memref<1x!tpu.dma_semaphore, #tpu.memory_space<semaphore_mem>> -> memref<!tpu.dma_semaphore, #tpu.memory_space<semaphore_mem>>
      tpu.wait_indirect_dma semaphore(%dma_wait3A_109 : memref<!tpu.dma_semaphore, #tpu.memory_space<semaphore_mem>>) src(%dma_wait3A_107 : memref<100000x128xf32, #tpu.memory_space<hbm>>) dst(%dma_wait3A_103 : memref<128x128xf32, #tpu.memory_space<vmem>>)
      %mul3A_110 = arith.constant 128 : i32
      %mul3A_111 = arith.muli %add3A_94, %mul3A_110 : i32
      %multiple_of3A_112 = tpu.assume_multiple %mul3A_111, 128 : i32
      %add3A_113 = arith.addi %mul3A_2, %multiple_of3A_112 : i32
      %dma_start3A_114 = arith.constant 0 : i32
      %dma_start3A_115 = arith.constant 0 : i32
      %dma_start3A_116 = arith.constant 0 : i32
      %dma_start3A_117 = arith.constant 0 : i32
      %dma_start3A_118 = tpu.memref_slice %arg6[%dma_start3A_114, %dma_start3A_116, %dma_start3A_117] : memref<5x128x128xf32, #tpu.memory_space<vmem>> -> memref<1x128x128xf32, #tpu.memory_space<vmem>>
      %dma_start3A_119 = tpu.memref_squeeze %dma_start3A_118 : memref<1x128x128xf32, #tpu.memory_space<vmem>> -> memref<128x128xf32, #tpu.memory_space<vmem>>
      %dma_start3A_120 = arith.constant 0 : i32
      %dma_start3A_121 = tpu.memref_slice %arg4[%add3A_113, %dma_start3A_120] : memref<204800x128xf32, #tpu.memory_space<hbm>> -> memref<128x128xf32, #tpu.memory_space<hbm>>
      %dma_start3A_122 = tpu.memref_slice %arg8[%dma_start3A_115] : memref<5x!tpu.dma_semaphore, #tpu.memory_space<semaphore_mem>> -> memref<1x!tpu.dma_semaphore, #tpu.memory_space<semaphore_mem>>
      %dma_start3A_123 = tpu.memref_squeeze %dma_start3A_122 : memref<1x!tpu.dma_semaphore, #tpu.memory_space<semaphore_mem>> -> memref<!tpu.dma_semaphore, #tpu.memory_space<semaphore_mem>>
      %dma_start3A_124 = arith.constant 0 : i32
      %dma_start3A_125 = tpu.memref_slice %arg4[%add3A_113, %dma_start3A_124] : memref<204800x128xf32, #tpu.memory_space<hbm>> -> memref<128x128xf32, #tpu.memory_space<hbm>>
      %dma_start3A_126 = arith.constant 0 : i32
      %dma_start3A_127 = arith.constant 0 : i32
      %dma_start3A_128 = tpu.memref_slice %arg6[%dma_start3A_114, %dma_start3A_126, %dma_start3A_127] : memref<5x128x128xf32, #tpu.memory_space<vmem>> -> memref<1x128x128xf32, #tpu.memory_space<vmem>>
      %dma_start3A_129 = tpu.memref_squeeze %dma_start3A_128 : memref<1x128x128xf32, #tpu.memory_space<vmem>> -> memref<128x128xf32, #tpu.memory_space<vmem>>
      tpu.enqueue_dma source(%dma_start3A_129 : memref<128x128xf32, #tpu.memory_space<vmem>>) target(%dma_start3A_125 : memref<128x128xf32, #tpu.memory_space<hbm>>) target_semaphore(%dma_start3A_123 : memref<!tpu.dma_semaphore, #tpu.memory_space<semaphore_mem>>)
      %ge3A = arith.constant 1 : i32
      %ge3A_130 = arith.cmpi sge, %scan3A_90, %ge3A : i32
      %convert_element_type3A = arith.extui %ge3A_130 : i1 to i32
      %cond3A = arith.constant 0 : i32
      %cond3A_131 = arith.cmpi ne, %convert_element_type3A, %cond3A : i32
      scf.if %cond3A_131 {
        %sub3A_401 = arith.constant 3 : i32
        %sub3A_402 = arith.subi %add3A_94, %sub3A_401 : i32
        %mul3A_403 = arith.constant 128 : i32
        %mul3A_404 = arith.muli %sub3A_402, %mul3A_403 : i32
        %multiple_of3A_405 = tpu.assume_multiple %mul3A_404, 128 : i32
        %add3A_406 = arith.addi %mul3A_2, %multiple_of3A_405 : i32
        %dma_wait3A_407 = arith.constant 2 : i32
        %dma_wait3A_408 = arith.constant 2 : i32
        %dma_wait3A_409 = arith.constant 0 : i32
        %dma_wait3A_410 = arith.constant 0 : i32
        %dma_wait3A_411 = tpu.memref_slice %arg6[%dma_wait3A_407, %dma_wait3A_409, %dma_wait3A_410] : memref<5x128x128xf32, #tpu.memory_space<vmem>> -> memref<1x128x128xf32, #tpu.memory_space<vmem>>
        %dma_wait3A_412 = tpu.memref_squeeze %dma_wait3A_411 : memref<1x128x128xf32, #tpu.memory_space<vmem>> -> memref<128x128xf32, #tpu.memory_space<vmem>>
        %dma_wait3A_413 = arith.constant 0 : i32
        %dma_wait3A_414 = tpu.memref_slice %arg4[%add3A_406, %dma_wait3A_413] : memref<204800x128xf32, #tpu.memory_space<hbm>> -> memref<128x128xf32, #tpu.memory_space<hbm>>
        %dma_wait3A_415 = tpu.memref_slice %arg8[%dma_wait3A_408] : memref<5x!tpu.dma_semaphore, #tpu.memory_space<semaphore_mem>> -> memref<1x!tpu.dma_semaphore, #tpu.memory_space<semaphore_mem>>
        %dma_wait3A_416 = tpu.memref_squeeze %dma_wait3A_415 : memref<1x!tpu.dma_semaphore, #tpu.memory_space<semaphore_mem>> -> memref<!tpu.dma_semaphore, #tpu.memory_space<semaphore_mem>>
        %dma_wait3A_417 = arith.constant 0 : i32
        %dma_wait3A_418 = tpu.memref_slice %arg4[%add3A_406, %dma_wait3A_417] : memref<204800x128xf32, #tpu.memory_space<hbm>> -> memref<128x128xf32, #tpu.memory_space<hbm>>
        %dma_wait3A_419 = arith.constant 0 : i32
        %dma_wait3A_420 = arith.constant 0 : i32
        %dma_wait3A_421 = tpu.memref_slice %arg6[%dma_wait3A_407, %dma_wait3A_419, %dma_wait3A_420] : memref<5x128x128xf32, #tpu.memory_space<vmem>> -> memref<1x128x128xf32, #tpu.memory_space<vmem>>
        %dma_wait3A_422 = tpu.memref_squeeze %dma_wait3A_421 : memref<1x128x128xf32, #tpu.memory_space<vmem>> -> memref<128x128xf32, #tpu.memory_space<vmem>>
        tpu.wait_dma2 semaphore(%dma_wait3A_416 : memref<!tpu.dma_semaphore, #tpu.memory_space<semaphore_mem>>) src(%dma_wait3A_422 : memref<128x128xf32, #tpu.memory_space<vmem>>) dst(%dma_wait3A_418 : memref<128x128xf32, #tpu.memory_space<hbm>>)
      } else {
      }
      %add3A_132 = arith.constant 2 : i32
      %add3A_133 = arith.addi %add3A_94, %add3A_132 : i32
      %mul3A_134 = arith.constant 128 : i32
      %mul3A_135 = arith.muli %add3A_133, %mul3A_134 : i32
      %multiple_of3A_136 = tpu.assume_multiple %mul3A_135, 128 : i32
      %dma_start3A_137 = arith.constant 2 : i32
      %dma_start3A_138 = arith.constant 2 : i32
      %dma_start3A_139 = arith.constant 0 : i32
      %dma_start3A_140 = arith.constant 0 : i32
      %dma_start3A_141 = tpu.memref_slice %arg6[%dma_start3A_137, %dma_start3A_139, %dma_start3A_140] : memref<5x128x128xf32, #tpu.memory_space<vmem>> -> memref<1x128x128xf32, #tpu.memory_space<vmem>>
      %dma_start3A_142 = tpu.memref_squeeze %dma_start3A_141 : memref<1x128x128xf32, #tpu.memory_space<vmem>> -> memref<128x128xf32, #tpu.memory_space<vmem>>
      %dma_start3A_143 = tpu.memref_slice %arg5[%multiple_of3A_136] : memref<6400xi32, #tpu.memory_space<vmem>> -> memref<128xi32, #tpu.memory_space<vmem>>
      %dma_start3A_144 = arith.constant 0 : i32
      %dma_start3A_145 = arith.constant 0 : i32
      %dma_start3A_146 = tpu.memref_slice %arg3[%dma_start3A_144, %dma_start3A_145] : memref<100000x128xf32, #tpu.memory_space<hbm>> -> memref<100000x128xf32, #tpu.memory_space<hbm>>
      %dma_start3A_147 = tpu.memref_slice %arg7[%dma_start3A_138] : memref<5x!tpu.dma_semaphore, #tpu.memory_space<semaphore_mem>> -> memref<1x!tpu.dma_semaphore, #tpu.memory_space<semaphore_mem>>
      %dma_start3A_148 = tpu.memref_squeeze %dma_start3A_147 : memref<1x!tpu.dma_semaphore, #tpu.memory_space<semaphore_mem>> -> memref<!tpu.dma_semaphore, #tpu.memory_space<semaphore_mem>>
      tpu.enqueue_indirect_dma source(%dma_start3A_146 : memref<100000x128xf32, #tpu.memory_space<hbm>>) target(%dma_start3A_142 : memref<128x128xf32, #tpu.memory_space<vmem>>) offsets(%dma_start3A_143 : memref<128xi32, #tpu.memory_space<vmem>>) semaphore(%dma_start3A_148 : memref<!tpu.dma_semaphore, #tpu.memory_space<semaphore_mem>>)
      %mul3A_149 = arith.constant 5 : i32
      %mul3A_150 = arith.muli %scan3A_90, %mul3A_149 : i32
      %add3A_151 = arith.constant 1 : i32
      %add3A_152 = arith.addi %mul3A_150, %add3A_151 : i32
      %mul3A_153 = arith.constant 128 : i32
      %mul3A_154 = arith.muli %add3A_152, %mul3A_153 : i32
      %multiple_of3A_155 = tpu.assume_multiple %mul3A_154, 128 : i32
      %dma_wait3A_156 = arith.constant 1 : i32
      %dma_wait3A_157 = arith.constant 1 : i32
      %dma_wait3A_158 = arith.constant 0 : i32
      %dma_wait3A_159 = arith.constant 0 : i32
      %dma_wait3A_160 = tpu.memref_slice %arg6[%dma_wait3A_156, %dma_wait3A_158, %dma_wait3A_159] : memref<5x128x128xf32, #tpu.memory_space<vmem>> -> memref<1x128x128xf32, #tpu.memory_space<vmem>>
      %dma_wait3A_161 = tpu.memref_squeeze %dma_wait3A_160 : memref<1x128x128xf32, #tpu.memory_space<vmem>> -> memref<128x128xf32, #tpu.memory_space<vmem>>
      %dma_wait3A_162 = tpu.memref_slice %arg5[%multiple_of3A_155] : memref<6400xi32, #tpu.memory_space<vmem>> -> memref<128xi32, #tpu.memory_space<vmem>>
      %dma_wait3A_163 = arith.constant 0 : i32
      %dma_wait3A_164 = arith.constant 0 : i32
      %dma_wait3A_165 = tpu.memref_slice %arg3[%dma_wait3A_163, %dma_wait3A_164] : memref<100000x128xf32, #tpu.memory_space<hbm>> -> memref<100000x128xf32, #tpu.memory_space<hbm>>
      %dma_wait3A_166 = tpu.memref_slice %arg7[%dma_wait3A_157] : memref<5x!tpu.dma_semaphore, #tpu.memory_space<semaphore_mem>> -> memref<1x!tpu.dma_semaphore, #tpu.memory_space<semaphore_mem>>
      %dma_wait3A_167 = tpu.memref_squeeze %dma_wait3A_166 : memref<1x!tpu.dma_semaphore, #tpu.memory_space<semaphore_mem>> -> memref<!tpu.dma_semaphore, #tpu.memory_space<semaphore_mem>>
      tpu.wait_indirect_dma semaphore(%dma_wait3A_167 : memref<!tpu.dma_semaphore, #tpu.memory_space<semaphore_mem>>) src(%dma_wait3A_165 : memref<100000x128xf32, #tpu.memory_space<hbm>>) dst(%dma_wait3A_161 : memref<128x128xf32, #tpu.memory_space<vmem>>)
      %mul3A_168 = arith.constant 128 : i32
      %mul3A_169 = arith.muli %add3A_152, %mul3A_168 : i32
      %multiple_of3A_170 = tpu.assume_multiple %mul3A_169, 128 : i32
      %add3A_171 = arith.addi %mul3A_2, %multiple_of3A_170 : i32
      %dma_start3A_172 = arith.constant 1 : i32
      %dma_start3A_173 = arith.constant 1 : i32
      %dma_start3A_174 = arith.constant 0 : i32
      %dma_start3A_175 = arith.constant 0 : i32
      %dma_start3A_176 = tpu.memref_slice %arg6[%dma_start3A_172, %dma_start3A_174, %dma_start3A_175] : memref<5x128x128xf32, #tpu.memory_space<vmem>> -> memref<1x128x128xf32, #tpu.memory_space<vmem>>
      %dma_start3A_177 = tpu.memref_squeeze %dma_start3A_176 : memref<1x128x128xf32, #tpu.memory_space<vmem>> -> memref<128x128xf32, #tpu.memory_space<vmem>>
      %dma_start3A_178 = arith.constant 0 : i32
      %dma_start3A_179 = tpu.memref_slice %arg4[%add3A_171, %dma_start3A_178] : memref<204800x128xf32, #tpu.memory_space<hbm>> -> memref<128x128xf32, #tpu.memory_space<hbm>>
      %dma_start3A_180 = tpu.memref_slice %arg8[%dma_start3A_173] : memref<5x!tpu.dma_semaphore, #tpu.memory_space<semaphore_mem>> -> memref<1x!tpu.dma_semaphore, #tpu.memory_space<semaphore_mem>>
      %dma_start3A_181 = tpu.memref_squeeze %dma_start3A_180 : memref<1x!tpu.dma_semaphore, #tpu.memory_space<semaphore_mem>> -> memref<!tpu.dma_semaphore, #tpu.memory_space<semaphore_mem>>
      %dma_start3A_182 = arith.constant 0 : i32
      %dma_start3A_183 = tpu.memref_slice %arg4[%add3A_171, %dma_start3A_182] : memref<204800x128xf32, #tpu.memory_space<hbm>> -> memref<128x128xf32, #tpu.memory_space<hbm>>
      %dma_start3A_184 = arith.constant 0 : i32
      %dma_start3A_185 = arith.constant 0 : i32
      %dma_start3A_186 = tpu.memref_slice %arg6[%dma_start3A_172, %dma_start3A_184, %dma_start3A_185] : memref<5x128x128xf32, #tpu.memory_space<vmem>> -> memref<1x128x128xf32, #tpu.memory_space<vmem>>
      %dma_start3A_187 = tpu.memref_squeeze %dma_start3A_186 : memref<1x128x128xf32, #tpu.memory_space<vmem>> -> memref<128x128xf32, #tpu.memory_space<vmem>>
      tpu.enqueue_dma source(%dma_start3A_187 : memref<128x128xf32, #tpu.memory_space<vmem>>) target(%dma_start3A_183 : memref<128x128xf32, #tpu.memory_space<hbm>>) target_semaphore(%dma_start3A_181 : memref<!tpu.dma_semaphore, #tpu.memory_space<semaphore_mem>>)
      %ge3A_188 = arith.constant 1 : i32
      %ge3A_189 = arith.cmpi sge, %scan3A_90, %ge3A_188 : i32
      %convert_element_type3A_190 = arith.extui %ge3A_189 : i1 to i32
      %cond3A_191 = arith.constant 0 : i32
      %cond3A_192 = arith.cmpi ne, %convert_element_type3A_190, %cond3A_191 : i32
      scf.if %cond3A_192 {
        %sub3A_401 = arith.constant 3 : i32
        %sub3A_402 = arith.subi %add3A_152, %sub3A_401 : i32
        %mul3A_403 = arith.constant 128 : i32
        %mul3A_404 = arith.muli %sub3A_402, %mul3A_403 : i32
        %multiple_of3A_405 = tpu.assume_multiple %mul3A_404, 128 : i32
        %add3A_406 = arith.addi %mul3A_2, %multiple_of3A_405 : i32
        %dma_wait3A_407 = arith.constant 3 : i32
        %dma_wait3A_408 = arith.constant 3 : i32
        %dma_wait3A_409 = arith.constant 0 : i32
        %dma_wait3A_410 = arith.constant 0 : i32
        %dma_wait3A_411 = tpu.memref_slice %arg6[%dma_wait3A_407, %dma_wait3A_409, %dma_wait3A_410] : memref<5x128x128xf32, #tpu.memory_space<vmem>> -> memref<1x128x128xf32, #tpu.memory_space<vmem>>
        %dma_wait3A_412 = tpu.memref_squeeze %dma_wait3A_411 : memref<1x128x128xf32, #tpu.memory_space<vmem>> -> memref<128x128xf32, #tpu.memory_space<vmem>>
        %dma_wait3A_413 = arith.constant 0 : i32
        %dma_wait3A_414 = tpu.memref_slice %arg4[%add3A_406, %dma_wait3A_413] : memref<204800x128xf32, #tpu.memory_space<hbm>> -> memref<128x128xf32, #tpu.memory_space<hbm>>
        %dma_wait3A_415 = tpu.memref_slice %arg8[%dma_wait3A_408] : memref<5x!tpu.dma_semaphore, #tpu.memory_space<semaphore_mem>> -> memref<1x!tpu.dma_semaphore, #tpu.memory_space<semaphore_mem>>
        %dma_wait3A_416 = tpu.memref_squeeze %dma_wait3A_415 : memref<1x!tpu.dma_semaphore, #tpu.memory_space<semaphore_mem>> -> memref<!tpu.dma_semaphore, #tpu.memory_space<semaphore_mem>>
        %dma_wait3A_417 = arith.constant 0 : i32
        %dma_wait3A_418 = tpu.memref_slice %arg4[%add3A_406, %dma_wait3A_417] : memref<204800x128xf32, #tpu.memory_space<hbm>> -> memref<128x128xf32, #tpu.memory_space<hbm>>
        %dma_wait3A_419 = arith.constant 0 : i32
        %dma_wait3A_420 = arith.constant 0 : i32
        %dma_wait3A_421 = tpu.memref_slice %arg6[%dma_wait3A_407, %dma_wait3A_419, %dma_wait3A_420] : memref<5x128x128xf32, #tpu.memory_space<vmem>> -> memref<1x128x128xf32, #tpu.memory_space<vmem>>
        %dma_wait3A_422 = tpu.memref_squeeze %dma_wait3A_421 : memref<1x128x128xf32, #tpu.memory_space<vmem>> -> memref<128x128xf32, #tpu.memory_space<vmem>>
        tpu.wait_dma2 semaphore(%dma_wait3A_416 : memref<!tpu.dma_semaphore, #tpu.memory_space<semaphore_mem>>) src(%dma_wait3A_422 : memref<128x128xf32, #tpu.memory_space<vmem>>) dst(%dma_wait3A_418 : memref<128x128xf32, #tpu.memory_space<hbm>>)
      } else {
      }
      %add3A_193 = arith.constant 2 : i32
      %add3A_194 = arith.addi %add3A_152, %add3A_193 : i32
      %mul3A_195 = arith.constant 128 : i32
      %mul3A_196 = arith.muli %add3A_194, %mul3A_195 : i32
      %multiple_of3A_197 = tpu.assume_multiple %mul3A_196, 128 : i32
      %dma_start3A_198 = arith.constant 3 : i32
      %dma_start3A_199 = arith.constant 3 : i32
      %dma_start3A_200 = arith.constant 0 : i32
      %dma_start3A_201 = arith.constant 0 : i32
      %dma_start3A_202 = tpu.memref_slice %arg6[%dma_start3A_198, %dma_start3A_200, %dma_start3A_201] : memref<5x128x128xf32, #tpu.memory_space<vmem>> -> memref<1x128x128xf32, #tpu.memory_space<vmem>>
      %dma_start3A_203 = tpu.memref_squeeze %dma_start3A_202 : memref<1x128x128xf32, #tpu.memory_space<vmem>> -> memref<128x128xf32, #tpu.memory_space<vmem>>
      %dma_start3A_204 = tpu.memref_slice %arg5[%multiple_of3A_197] : memref<6400xi32, #tpu.memory_space<vmem>> -> memref<128xi32, #tpu.memory_space<vmem>>
      %dma_start3A_205 = arith.constant 0 : i32
      %dma_start3A_206 = arith.constant 0 : i32
      %dma_start3A_207 = tpu.memref_slice %arg3[%dma_start3A_205, %dma_start3A_206] : memref<100000x128xf32, #tpu.memory_space<hbm>> -> memref<100000x128xf32, #tpu.memory_space<hbm>>
      %dma_start3A_208 = tpu.memref_slice %arg7[%dma_start3A_199] : memref<5x!tpu.dma_semaphore, #tpu.memory_space<semaphore_mem>> -> memref<1x!tpu.dma_semaphore, #tpu.memory_space<semaphore_mem>>
      %dma_start3A_209 = tpu.memref_squeeze %dma_start3A_208 : memref<1x!tpu.dma_semaphore, #tpu.memory_space<semaphore_mem>> -> memref<!tpu.dma_semaphore, #tpu.memory_space<semaphore_mem>>
      tpu.enqueue_indirect_dma source(%dma_start3A_207 : memref<100000x128xf32, #tpu.memory_space<hbm>>) target(%dma_start3A_203 : memref<128x128xf32, #tpu.memory_space<vmem>>) offsets(%dma_start3A_204 : memref<128xi32, #tpu.memory_space<vmem>>) semaphore(%dma_start3A_209 : memref<!tpu.dma_semaphore, #tpu.memory_space<semaphore_mem>>)
      %mul3A_210 = arith.constant 5 : i32
      %mul3A_211 = arith.muli %scan3A_90, %mul3A_210 : i32
      %add3A_212 = arith.constant 2 : i32
      %add3A_213 = arith.addi %mul3A_211, %add3A_212 : i32
      %mul3A_214 = arith.constant 128 : i32
      %mul3A_215 = arith.muli %add3A_213, %mul3A_214 : i32
      %multiple_of3A_216 = tpu.assume_multiple %mul3A_215, 128 : i32
      %dma_wait3A_217 = arith.constant 2 : i32
      %dma_wait3A_218 = arith.constant 2 : i32
      %dma_wait3A_219 = arith.constant 0 : i32
      %dma_wait3A_220 = arith.constant 0 : i32
      %dma_wait3A_221 = tpu.memref_slice %arg6[%dma_wait3A_217, %dma_wait3A_219, %dma_wait3A_220] : memref<5x128x128xf32, #tpu.memory_space<vmem>> -> memref<1x128x128xf32, #tpu.memory_space<vmem>>
      %dma_wait3A_222 = tpu.memref_squeeze %dma_wait3A_221 : memref<1x128x128xf32, #tpu.memory_space<vmem>> -> memref<128x128xf32, #tpu.memory_space<vmem>>
      %dma_wait3A_223 = tpu.memref_slice %arg5[%multiple_of3A_216] : memref<6400xi32, #tpu.memory_space<vmem>> -> memref<128xi32, #tpu.memory_space<vmem>>
      %dma_wait3A_224 = arith.constant 0 : i32
      %dma_wait3A_225 = arith.constant 0 : i32
      %dma_wait3A_226 = tpu.memref_slice %arg3[%dma_wait3A_224, %dma_wait3A_225] : memref<100000x128xf32, #tpu.memory_space<hbm>> -> memref<100000x128xf32, #tpu.memory_space<hbm>>
      %dma_wait3A_227 = tpu.memref_slice %arg7[%dma_wait3A_218] : memref<5x!tpu.dma_semaphore, #tpu.memory_space<semaphore_mem>> -> memref<1x!tpu.dma_semaphore, #tpu.memory_space<semaphore_mem>>
      %dma_wait3A_228 = tpu.memref_squeeze %dma_wait3A_227 : memref<1x!tpu.dma_semaphore, #tpu.memory_space<semaphore_mem>> -> memref<!tpu.dma_semaphore, #tpu.memory_space<semaphore_mem>>
      tpu.wait_indirect_dma semaphore(%dma_wait3A_228 : memref<!tpu.dma_semaphore, #tpu.memory_space<semaphore_mem>>) src(%dma_wait3A_226 : memref<100000x128xf32, #tpu.memory_space<hbm>>) dst(%dma_wait3A_222 : memref<128x128xf32, #tpu.memory_space<vmem>>)
      %mul3A_229 = arith.constant 128 : i32
      %mul3A_230 = arith.muli %add3A_213, %mul3A_229 : i32
      %multiple_of3A_231 = tpu.assume_multiple %mul3A_230, 128 : i32
      %add3A_232 = arith.addi %mul3A_2, %multiple_of3A_231 : i32
      %dma_start3A_233 = arith.constant 2 : i32
      %dma_start3A_234 = arith.constant 2 : i32
      %dma_start3A_235 = arith.constant 0 : i32
      %dma_start3A_236 = arith.constant 0 : i32
      %dma_start3A_237 = tpu.memref_slice %arg6[%dma_start3A_233, %dma_start3A_235, %dma_start3A_236] : memref<5x128x128xf32, #tpu.memory_space<vmem>> -> memref<1x128x128xf32, #tpu.memory_space<vmem>>
      %dma_start3A_238 = tpu.memref_squeeze %dma_start3A_237 : memref<1x128x128xf32, #tpu.memory_space<vmem>> -> memref<128x128xf32, #tpu.memory_space<vmem>>
      %dma_start3A_239 = arith.constant 0 : i32
      %dma_start3A_240 = tpu.memref_slice %arg4[%add3A_232, %dma_start3A_239] : memref<204800x128xf32, #tpu.memory_space<hbm>> -> memref<128x128xf32, #tpu.memory_space<hbm>>
      %dma_start3A_241 = tpu.memref_slice %arg8[%dma_start3A_234] : memref<5x!tpu.dma_semaphore, #tpu.memory_space<semaphore_mem>> -> memref<1x!tpu.dma_semaphore, #tpu.memory_space<semaphore_mem>>
      %dma_start3A_242 = tpu.memref_squeeze %dma_start3A_241 : memref<1x!tpu.dma_semaphore, #tpu.memory_space<semaphore_mem>> -> memref<!tpu.dma_semaphore, #tpu.memory_space<semaphore_mem>>
      %dma_start3A_243 = arith.constant 0 : i32
      %dma_start3A_244 = tpu.memref_slice %arg4[%add3A_232, %dma_start3A_243] : memref<204800x128xf32, #tpu.memory_space<hbm>> -> memref<128x128xf32, #tpu.memory_space<hbm>>
      %dma_start3A_245 = arith.constant 0 : i32
      %dma_start3A_246 = arith.constant 0 : i32
      %dma_start3A_247 = tpu.memref_slice %arg6[%dma_start3A_233, %dma_start3A_245, %dma_start3A_246] : memref<5x128x128xf32, #tpu.memory_space<vmem>> -> memref<1x128x128xf32, #tpu.memory_space<vmem>>
      %dma_start3A_248 = tpu.memref_squeeze %dma_start3A_247 : memref<1x128x128xf32, #tpu.memory_space<vmem>> -> memref<128x128xf32, #tpu.memory_space<vmem>>
      tpu.enqueue_dma source(%dma_start3A_248 : memref<128x128xf32, #tpu.memory_space<vmem>>) target(%dma_start3A_244 : memref<128x128xf32, #tpu.memory_space<hbm>>) target_semaphore(%dma_start3A_242 : memref<!tpu.dma_semaphore, #tpu.memory_space<semaphore_mem>>)
      %ge3A_249 = arith.constant 1 : i32
      %ge3A_250 = arith.cmpi sge, %scan3A_90, %ge3A_249 : i32
      %convert_element_type3A_251 = arith.extui %ge3A_250 : i1 to i32
      %cond3A_252 = arith.constant 0 : i32
      %cond3A_253 = arith.cmpi ne, %convert_element_type3A_251, %cond3A_252 : i32
      scf.if %cond3A_253 {
        %sub3A_401 = arith.constant 3 : i32
        %sub3A_402 = arith.subi %add3A_213, %sub3A_401 : i32
        %mul3A_403 = arith.constant 128 : i32
        %mul3A_404 = arith.muli %sub3A_402, %mul3A_403 : i32
        %multiple_of3A_405 = tpu.assume_multiple %mul3A_404, 128 : i32
        %add3A_406 = arith.addi %mul3A_2, %multiple_of3A_405 : i32
        %dma_wait3A_407 = arith.constant 4 : i32
        %dma_wait3A_408 = arith.constant 4 : i32
        %dma_wait3A_409 = arith.constant 0 : i32
        %dma_wait3A_410 = arith.constant 0 : i32
        %dma_wait3A_411 = tpu.memref_slice %arg6[%dma_wait3A_407, %dma_wait3A_409, %dma_wait3A_410] : memref<5x128x128xf32, #tpu.memory_space<vmem>> -> memref<1x128x128xf32, #tpu.memory_space<vmem>>
        %dma_wait3A_412 = tpu.memref_squeeze %dma_wait3A_411 : memref<1x128x128xf32, #tpu.memory_space<vmem>> -> memref<128x128xf32, #tpu.memory_space<vmem>>
        %dma_wait3A_413 = arith.constant 0 : i32
        %dma_wait3A_414 = tpu.memref_slice %arg4[%add3A_406, %dma_wait3A_413] : memref<204800x128xf32, #tpu.memory_space<hbm>> -> memref<128x128xf32, #tpu.memory_space<hbm>>
        %dma_wait3A_415 = tpu.memref_slice %arg8[%dma_wait3A_408] : memref<5x!tpu.dma_semaphore, #tpu.memory_space<semaphore_mem>> -> memref<1x!tpu.dma_semaphore, #tpu.memory_space<semaphore_mem>>
        %dma_wait3A_416 = tpu.memref_squeeze %dma_wait3A_415 : memref<1x!tpu.dma_semaphore, #tpu.memory_space<semaphore_mem>> -> memref<!tpu.dma_semaphore, #tpu.memory_space<semaphore_mem>>
        %dma_wait3A_417 = arith.constant 0 : i32
        %dma_wait3A_418 = tpu.memref_slice %arg4[%add3A_406, %dma_wait3A_417] : memref<204800x128xf32, #tpu.memory_space<hbm>> -> memref<128x128xf32, #tpu.memory_space<hbm>>
        %dma_wait3A_419 = arith.constant 0 : i32
        %dma_wait3A_420 = arith.constant 0 : i32
        %dma_wait3A_421 = tpu.memref_slice %arg6[%dma_wait3A_407, %dma_wait3A_419, %dma_wait3A_420] : memref<5x128x128xf32, #tpu.memory_space<vmem>> -> memref<1x128x128xf32, #tpu.memory_space<vmem>>
        %dma_wait3A_422 = tpu.memref_squeeze %dma_wait3A_421 : memref<1x128x128xf32, #tpu.memory_space<vmem>> -> memref<128x128xf32, #tpu.memory_space<vmem>>
        tpu.wait_dma2 semaphore(%dma_wait3A_416 : memref<!tpu.dma_semaphore, #tpu.memory_space<semaphore_mem>>) src(%dma_wait3A_422 : memref<128x128xf32, #tpu.memory_space<vmem>>) dst(%dma_wait3A_418 : memref<128x128xf32, #tpu.memory_space<hbm>>)
      } else {
      }
      %add3A_254 = arith.constant 2 : i32
      %add3A_255 = arith.addi %add3A_213, %add3A_254 : i32
      %mul3A_256 = arith.constant 128 : i32
      %mul3A_257 = arith.muli %add3A_255, %mul3A_256 : i32
      %multiple_of3A_258 = tpu.assume_multiple %mul3A_257, 128 : i32
      %dma_start3A_259 = arith.constant 4 : i32
      %dma_start3A_260 = arith.constant 4 : i32
      %dma_start3A_261 = arith.constant 0 : i32
      %dma_start3A_262 = arith.constant 0 : i32
      %dma_start3A_263 = tpu.memref_slice %arg6[%dma_start3A_259, %dma_start3A_261, %dma_start3A_262] : memref<5x128x128xf32, #tpu.memory_space<vmem>> -> memref<1x128x128xf32, #tpu.memory_space<vmem>>
      %dma_start3A_264 = tpu.memref_squeeze %dma_start3A_263 : memref<1x128x128xf32, #tpu.memory_space<vmem>> -> memref<128x128xf32, #tpu.memory_space<vmem>>
      %dma_start3A_265 = tpu.memref_slice %arg5[%multiple_of3A_258] : memref<6400xi32, #tpu.memory_space<vmem>> -> memref<128xi32, #tpu.memory_space<vmem>>
      %dma_start3A_266 = arith.constant 0 : i32
      %dma_start3A_267 = arith.constant 0 : i32
      %dma_start3A_268 = tpu.memref_slice %arg3[%dma_start3A_266, %dma_start3A_267] : memref<100000x128xf32, #tpu.memory_space<hbm>> -> memref<100000x128xf32, #tpu.memory_space<hbm>>
      %dma_start3A_269 = tpu.memref_slice %arg7[%dma_start3A_260] : memref<5x!tpu.dma_semaphore, #tpu.memory_space<semaphore_mem>> -> memref<1x!tpu.dma_semaphore, #tpu.memory_space<semaphore_mem>>
      %dma_start3A_270 = tpu.memref_squeeze %dma_start3A_269 : memref<1x!tpu.dma_semaphore, #tpu.memory_space<semaphore_mem>> -> memref<!tpu.dma_semaphore, #tpu.memory_space<semaphore_mem>>
      tpu.enqueue_indirect_dma source(%dma_start3A_268 : memref<100000x128xf32, #tpu.memory_space<hbm>>) target(%dma_start3A_264 : memref<128x128xf32, #tpu.memory_space<vmem>>) offsets(%dma_start3A_265 : memref<128xi32, #tpu.memory_space<vmem>>) semaphore(%dma_start3A_270 : memref<!tpu.dma_semaphore, #tpu.memory_space<semaphore_mem>>)
      %mul3A_271 = arith.constant 5 : i32
      %mul3A_272 = arith.muli %scan3A_90, %mul3A_271 : i32
      %add3A_273 = arith.constant 3 : i32
      %add3A_274 = arith.addi %mul3A_272, %add3A_273 : i32
      %mul3A_275 = arith.constant 128 : i32
      %mul3A_276 = arith.muli %add3A_274, %mul3A_275 : i32
      %multiple_of3A_277 = tpu.assume_multiple %mul3A_276, 128 : i32
      %dma_wait3A_278 = arith.constant 3 : i32
      %dma_wait3A_279 = arith.constant 3 : i32
      %dma_wait3A_280 = arith.constant 0 : i32
      %dma_wait3A_281 = arith.constant 0 : i32
      %dma_wait3A_282 = tpu.memref_slice %arg6[%dma_wait3A_278, %dma_wait3A_280, %dma_wait3A_281] : memref<5x128x128xf32, #tpu.memory_space<vmem>> -> memref<1x128x128xf32, #tpu.memory_space<vmem>>
      %dma_wait3A_283 = tpu.memref_squeeze %dma_wait3A_282 : memref<1x128x128xf32, #tpu.memory_space<vmem>> -> memref<128x128xf32, #tpu.memory_space<vmem>>
      %dma_wait3A_284 = tpu.memref_slice %arg5[%multiple_of3A_277] : memref<6400xi32, #tpu.memory_space<vmem>> -> memref<128xi32, #tpu.memory_space<vmem>>
      %dma_wait3A_285 = arith.constant 0 : i32
      %dma_wait3A_286 = arith.constant 0 : i32
      %dma_wait3A_287 = tpu.memref_slice %arg3[%dma_wait3A_285, %dma_wait3A_286] : memref<100000x128xf32, #tpu.memory_space<hbm>> -> memref<100000x128xf32, #tpu.memory_space<hbm>>
      %dma_wait3A_288 = tpu.memref_slice %arg7[%dma_wait3A_279] : memref<5x!tpu.dma_semaphore, #tpu.memory_space<semaphore_mem>> -> memref<1x!tpu.dma_semaphore, #tpu.memory_space<semaphore_mem>>
      %dma_wait3A_289 = tpu.memref_squeeze %dma_wait3A_288 : memref<1x!tpu.dma_semaphore, #tpu.memory_space<semaphore_mem>> -> memref<!tpu.dma_semaphore, #tpu.memory_space<semaphore_mem>>
      tpu.wait_indirect_dma semaphore(%dma_wait3A_289 : memref<!tpu.dma_semaphore, #tpu.memory_space<semaphore_mem>>) src(%dma_wait3A_287 : memref<100000x128xf32, #tpu.memory_space<hbm>>) dst(%dma_wait3A_283 : memref<128x128xf32, #tpu.memory_space<vmem>>)
      %mul3A_290 = arith.constant 128 : i32
      %mul3A_291 = arith.muli %add3A_274, %mul3A_290 : i32
      %multiple_of3A_292 = tpu.assume_multiple %mul3A_291, 128 : i32
      %add3A_293 = arith.addi %mul3A_2, %multiple_of3A_292 : i32
      %dma_start3A_294 = arith.constant 3 : i32
      %dma_start3A_295 = arith.constant 3 : i32
      %dma_start3A_296 = arith.constant 0 : i32
      %dma_start3A_297 = arith.constant 0 : i32
      %dma_start3A_298 = tpu.memref_slice %arg6[%dma_start3A_294, %dma_start3A_296, %dma_start3A_297] : memref<5x128x128xf32, #tpu.memory_space<vmem>> -> memref<1x128x128xf32, #tpu.memory_space<vmem>>
      %dma_start3A_299 = tpu.memref_squeeze %dma_start3A_298 : memref<1x128x128xf32, #tpu.memory_space<vmem>> -> memref<128x128xf32, #tpu.memory_space<vmem>>
      %dma_start3A_300 = arith.constant 0 : i32
      %dma_start3A_301 = tpu.memref_slice %arg4[%add3A_293, %dma_start3A_300] : memref<204800x128xf32, #tpu.memory_space<hbm>> -> memref<128x128xf32, #tpu.memory_space<hbm>>
      %dma_start3A_302 = tpu.memref_slice %arg8[%dma_start3A_295] : memref<5x!tpu.dma_semaphore, #tpu.memory_space<semaphore_mem>> -> memref<1x!tpu.dma_semaphore, #tpu.memory_space<semaphore_mem>>
      %dma_start3A_303 = tpu.memref_squeeze %dma_start3A_302 : memref<1x!tpu.dma_semaphore, #tpu.memory_space<semaphore_mem>> -> memref<!tpu.dma_semaphore, #tpu.memory_space<semaphore_mem>>
      %dma_start3A_304 = arith.constant 0 : i32
      %dma_start3A_305 = tpu.memref_slice %arg4[%add3A_293, %dma_start3A_304] : memref<204800x128xf32, #tpu.memory_space<hbm>> -> memref<128x128xf32, #tpu.memory_space<hbm>>
      %dma_start3A_306 = arith.constant 0 : i32
      %dma_start3A_307 = arith.constant 0 : i32
      %dma_start3A_308 = tpu.memref_slice %arg6[%dma_start3A_294, %dma_start3A_306, %dma_start3A_307] : memref<5x128x128xf32, #tpu.memory_space<vmem>> -> memref<1x128x128xf32, #tpu.memory_space<vmem>>
      %dma_start3A_309 = tpu.memref_squeeze %dma_start3A_308 : memref<1x128x128xf32, #tpu.memory_space<vmem>> -> memref<128x128xf32, #tpu.memory_space<vmem>>
      tpu.enqueue_dma source(%dma_start3A_309 : memref<128x128xf32, #tpu.memory_space<vmem>>) target(%dma_start3A_305 : memref<128x128xf32, #tpu.memory_space<hbm>>) target_semaphore(%dma_start3A_303 : memref<!tpu.dma_semaphore, #tpu.memory_space<semaphore_mem>>)
      %sub3A = arith.constant 3 : i32
      %sub3A_310 = arith.subi %add3A_274, %sub3A : i32
      %mul3A_311 = arith.constant 128 : i32
      %mul3A_312 = arith.muli %sub3A_310, %mul3A_311 : i32
      %multiple_of3A_313 = tpu.assume_multiple %mul3A_312, 128 : i32
      %add3A_314 = arith.addi %mul3A_2, %multiple_of3A_313 : i32
      %dma_wait3A_315 = arith.constant 0 : i32
      %dma_wait3A_316 = arith.constant 0 : i32
      %dma_wait3A_317 = arith.constant 0 : i32
      %dma_wait3A_318 = arith.constant 0 : i32
      %dma_wait3A_319 = tpu.memref_slice %arg6[%dma_wait3A_315, %dma_wait3A_317, %dma_wait3A_318] : memref<5x128x128xf32, #tpu.memory_space<vmem>> -> memref<1x128x128xf32, #tpu.memory_space<vmem>>
      %dma_wait3A_320 = tpu.memref_squeeze %dma_wait3A_319 : memref<1x128x128xf32, #tpu.memory_space<vmem>> -> memref<128x128xf32, #tpu.memory_space<vmem>>
      %dma_wait3A_321 = arith.constant 0 : i32
      %dma_wait3A_322 = tpu.memref_slice %arg4[%add3A_314, %dma_wait3A_321] : memref<204800x128xf32, #tpu.memory_space<hbm>> -> memref<128x128xf32, #tpu.memory_space<hbm>>
      %dma_wait3A_323 = tpu.memref_slice %arg8[%dma_wait3A_316] : memref<5x!tpu.dma_semaphore, #tpu.memory_space<semaphore_mem>> -> memref<1x!tpu.dma_semaphore, #tpu.memory_space<semaphore_mem>>
      %dma_wait3A_324 = tpu.memref_squeeze %dma_wait3A_323 : memref<1x!tpu.dma_semaphore, #tpu.memory_space<semaphore_mem>> -> memref<!tpu.dma_semaphore, #tpu.memory_space<semaphore_mem>>
      %dma_wait3A_325 = arith.constant 0 : i32
      %dma_wait3A_326 = tpu.memref_slice %arg4[%add3A_314, %dma_wait3A_325] : memref<204800x128xf32, #tpu.memory_space<hbm>> -> memref<128x128xf32, #tpu.memory_space<hbm>>
      %dma_wait3A_327 = arith.constant 0 : i32
      %dma_wait3A_328 = arith.constant 0 : i32
      %dma_wait3A_329 = tpu.memref_slice %arg6[%dma_wait3A_315, %dma_wait3A_327, %dma_wait3A_328] : memref<5x128x128xf32, #tpu.memory_space<vmem>> -> memref<1x128x128xf32, #tpu.memory_space<vmem>>
      %dma_wait3A_330 = tpu.memref_squeeze %dma_wait3A_329 : memref<1x128x128xf32, #tpu.memory_space<vmem>> -> memref<128x128xf32, #tpu.memory_space<vmem>>
      tpu.wait_dma2 semaphore(%dma_wait3A_324 : memref<!tpu.dma_semaphore, #tpu.memory_space<semaphore_mem>>) src(%dma_wait3A_330 : memref<128x128xf32, #tpu.memory_space<vmem>>) dst(%dma_wait3A_326 : memref<128x128xf32, #tpu.memory_space<hbm>>)
      %lt3A = arith.constant 9 : i32
      %lt3A_331 = arith.cmpi slt, %scan3A_90, %lt3A : i32
      %convert_element_type3A_332 = arith.extui %lt3A_331 : i1 to i32
      %cond3A_333 = arith.constant 0 : i32
      %cond3A_334 = arith.cmpi ne, %convert_element_type3A_332, %cond3A_333 : i32
      scf.if %cond3A_334 {
        %add3A_401 = arith.constant 2 : i32
        %add3A_402 = arith.addi %add3A_274, %add3A_401 : i32
        %mul3A_403 = arith.constant 128 : i32
        %mul3A_404 = arith.muli %add3A_402, %mul3A_403 : i32
        %multiple_of3A_405 = tpu.assume_multiple %mul3A_404, 128 : i32
        %dma_start3A_406 = arith.constant 0 : i32
        %dma_start3A_407 = arith.constant 0 : i32
        %dma_start3A_408 = arith.constant 0 : i32
        %dma_start3A_409 = arith.constant 0 : i32
        %dma_start3A_410 = tpu.memref_slice %arg6[%dma_start3A_406, %dma_start3A_408, %dma_start3A_409] : memref<5x128x128xf32, #tpu.memory_space<vmem>> -> memref<1x128x128xf32, #tpu.memory_space<vmem>>
        %dma_start3A_411 = tpu.memref_squeeze %dma_start3A_410 : memref<1x128x128xf32, #tpu.memory_space<vmem>> -> memref<128x128xf32, #tpu.memory_space<vmem>>
        %dma_start3A_412 = tpu.memref_slice %arg5[%multiple_of3A_405] : memref<6400xi32, #tpu.memory_space<vmem>> -> memref<128xi32, #tpu.memory_space<vmem>>
        %dma_start3A_413 = arith.constant 0 : i32
        %dma_start3A_414 = arith.constant 0 : i32
        %dma_start3A_415 = tpu.memref_slice %arg3[%dma_start3A_413, %dma_start3A_414] : memref<100000x128xf32, #tpu.memory_space<hbm>> -> memref<100000x128xf32, #tpu.memory_space<hbm>>
        %dma_start3A_416 = tpu.memref_slice %arg7[%dma_start3A_407] : memref<5x!tpu.dma_semaphore, #tpu.memory_space<semaphore_mem>> -> memref<1x!tpu.dma_semaphore, #tpu.memory_space<semaphore_mem>>
        %dma_start3A_417 = tpu.memref_squeeze %dma_start3A_416 : memref<1x!tpu.dma_semaphore, #tpu.memory_space<semaphore_mem>> -> memref<!tpu.dma_semaphore, #tpu.memory_space<semaphore_mem>>
        tpu.enqueue_indirect_dma source(%dma_start3A_415 : memref<100000x128xf32, #tpu.memory_space<hbm>>) target(%dma_start3A_411 : memref<128x128xf32, #tpu.memory_space<vmem>>) offsets(%dma_start3A_412 : memref<128xi32, #tpu.memory_space<vmem>>) semaphore(%dma_start3A_417 : memref<!tpu.dma_semaphore, #tpu.memory_space<semaphore_mem>>)
      } else {
      }
      %mul3A_335 = arith.constant 5 : i32
      %mul3A_336 = arith.muli %scan3A_90, %mul3A_335 : i32
      %add3A_337 = arith.constant 4 : i32
      %add3A_338 = arith.addi %mul3A_336, %add3A_337 : i32
      %mul3A_339 = arith.constant 128 : i32
      %mul3A_340 = arith.muli %add3A_338, %mul3A_339 : i32
      %multiple_of3A_341 = tpu.assume_multiple %mul3A_340, 128 : i32
      %dma_wait3A_342 = arith.constant 4 : i32
      %dma_wait3A_343 = arith.constant 4 : i32
      %dma_wait3A_344 = arith.constant 0 : i32
      %dma_wait3A_345 = arith.constant 0 : i32
      %dma_wait3A_346 = tpu.memref_slice %arg6[%dma_wait3A_342, %dma_wait3A_344, %dma_wait3A_345] : memref<5x128x128xf32, #tpu.memory_space<vmem>> -> memref<1x128x128xf32, #tpu.memory_space<vmem>>
      %dma_wait3A_347 = tpu.memref_squeeze %dma_wait3A_346 : memref<1x128x128xf32, #tpu.memory_space<vmem>> -> memref<128x128xf32, #tpu.memory_space<vmem>>
      %dma_wait3A_348 = tpu.memref_slice %arg5[%multiple_of3A_341] : memref<6400xi32, #tpu.memory_space<vmem>> -> memref<128xi32, #tpu.memory_space<vmem>>
      %dma_wait3A_349 = arith.constant 0 : i32
      %dma_wait3A_350 = arith.constant 0 : i32
      %dma_wait3A_351 = tpu.memref_slice %arg3[%dma_wait3A_349, %dma_wait3A_350] : memref<100000x128xf32, #tpu.memory_space<hbm>> -> memref<100000x128xf32, #tpu.memory_space<hbm>>
      %dma_wait3A_352 = tpu.memref_slice %arg7[%dma_wait3A_343] : memref<5x!tpu.dma_semaphore, #tpu.memory_space<semaphore_mem>> -> memref<1x!tpu.dma_semaphore, #tpu.memory_space<semaphore_mem>>
      %dma_wait3A_353 = tpu.memref_squeeze %dma_wait3A_352 : memref<1x!tpu.dma_semaphore, #tpu.memory_space<semaphore_mem>> -> memref<!tpu.dma_semaphore, #tpu.memory_space<semaphore_mem>>
      tpu.wait_indirect_dma semaphore(%dma_wait3A_353 : memref<!tpu.dma_semaphore, #tpu.memory_space<semaphore_mem>>) src(%dma_wait3A_351 : memref<100000x128xf32, #tpu.memory_space<hbm>>) dst(%dma_wait3A_347 : memref<128x128xf32, #tpu.memory_space<vmem>>)
      %mul3A_354 = arith.constant 128 : i32
      %mul3A_355 = arith.muli %add3A_338, %mul3A_354 : i32
      %multiple_of3A_356 = tpu.assume_multiple %mul3A_355, 128 : i32
      %add3A_357 = arith.addi %mul3A_2, %multiple_of3A_356 : i32
      %dma_start3A_358 = arith.constant 4 : i32
      %dma_start3A_359 = arith.constant 4 : i32
      %dma_start3A_360 = arith.constant 0 : i32
      %dma_start3A_361 = arith.constant 0 : i32
      %dma_start3A_362 = tpu.memref_slice %arg6[%dma_start3A_358, %dma_start3A_360, %dma_start3A_361] : memref<5x128x128xf32, #tpu.memory_space<vmem>> -> memref<1x128x128xf32, #tpu.memory_space<vmem>>
      %dma_start3A_363 = tpu.memref_squeeze %dma_start3A_362 : memref<1x128x128xf32, #tpu.memory_space<vmem>> -> memref<128x128xf32, #tpu.memory_space<vmem>>
      %dma_start3A_364 = arith.constant 0 : i32
      %dma_start3A_365 = tpu.memref_slice %arg4[%add3A_357, %dma_start3A_364] : memref<204800x128xf32, #tpu.memory_space<hbm>> -> memref<128x128xf32, #tpu.memory_space<hbm>>
      %dma_start3A_366 = tpu.memref_slice %arg8[%dma_start3A_359] : memref<5x!tpu.dma_semaphore, #tpu.memory_space<semaphore_mem>> -> memref<1x!tpu.dma_semaphore, #tpu.memory_space<semaphore_mem>>
      %dma_start3A_367 = tpu.memref_squeeze %dma_start3A_366 : memref<1x!tpu.dma_semaphore, #tpu.memory_space<semaphore_mem>> -> memref<!tpu.dma_semaphore, #tpu.memory_space<semaphore_mem>>
      %dma_start3A_368 = arith.constant 0 : i32
      %dma_start3A_369 = tpu.memref_slice %arg4[%add3A_357, %dma_start3A_368] : memref<204800x128xf32, #tpu.memory_space<hbm>> -> memref<128x128xf32, #tpu.memory_space<hbm>>
      %dma_start3A_370 = arith.constant 0 : i32
      %dma_start3A_371 = arith.constant 0 : i32
      %dma_start3A_372 = tpu.memref_slice %arg6[%dma_start3A_358, %dma_start3A_370, %dma_start3A_371] : memref<5x128x128xf32, #tpu.memory_space<vmem>> -> memref<1x128x128xf32, #tpu.memory_space<vmem>>
      %dma_start3A_373 = tpu.memref_squeeze %dma_start3A_372 : memref<1x128x128xf32, #tpu.memory_space<vmem>> -> memref<128x128xf32, #tpu.memory_space<vmem>>
      tpu.enqueue_dma source(%dma_start3A_373 : memref<128x128xf32, #tpu.memory_space<vmem>>) target(%dma_start3A_369 : memref<128x128xf32, #tpu.memory_space<hbm>>) target_semaphore(%dma_start3A_367 : memref<!tpu.dma_semaphore, #tpu.memory_space<semaphore_mem>>)
      %sub3A_374 = arith.constant 3 : i32
      %sub3A_375 = arith.subi %add3A_338, %sub3A_374 : i32
      %mul3A_376 = arith.constant 128 : i32
      %mul3A_377 = arith.muli %sub3A_375, %mul3A_376 : i32
      %multiple_of3A_378 = tpu.assume_multiple %mul3A_377, 128 : i32
      %add3A_379 = arith.addi %mul3A_2, %multiple_of3A_378 : i32
      %dma_wait3A_380 = arith.constant 1 : i32
      %dma_wait3A_381 = arith.constant 1 : i32
      %dma_wait3A_382 = arith.constant 0 : i32
      %dma_wait3A_383 = arith.constant 0 : i32
      %dma_wait3A_384 = tpu.memref_slice %arg6[%dma_wait3A_380, %dma_wait3A_382, %dma_wait3A_383] : memref<5x128x128xf32, #tpu.memory_space<vmem>> -> memref<1x128x128xf32, #tpu.memory_space<vmem>>
      %dma_wait3A_385 = tpu.memref_squeeze %dma_wait3A_384 : memref<1x128x128xf32, #tpu.memory_space<vmem>> -> memref<128x128xf32, #tpu.memory_space<vmem>>
      %dma_wait3A_386 = arith.constant 0 : i32
      %dma_wait3A_387 = tpu.memref_slice %arg4[%add3A_379, %dma_wait3A_386] : memref<204800x128xf32, #tpu.memory_space<hbm>> -> memref<128x128xf32, #tpu.memory_space<hbm>>
      %dma_wait3A_388 = tpu.memref_slice %arg8[%dma_wait3A_381] : memref<5x!tpu.dma_semaphore, #tpu.memory_space<semaphore_mem>> -> memref<1x!tpu.dma_semaphore, #tpu.memory_space<semaphore_mem>>
      %dma_wait3A_389 = tpu.memref_squeeze %dma_wait3A_388 : memref<1x!tpu.dma_semaphore, #tpu.memory_space<semaphore_mem>> -> memref<!tpu.dma_semaphore, #tpu.memory_space<semaphore_mem>>
      %dma_wait3A_390 = arith.constant 0 : i32
      %dma_wait3A_391 = tpu.memref_slice %arg4[%add3A_379, %dma_wait3A_390] : memref<204800x128xf32, #tpu.memory_space<hbm>> -> memref<128x128xf32, #tpu.memory_space<hbm>>
      %dma_wait3A_392 = arith.constant 0 : i32
      %dma_wait3A_393 = arith.constant 0 : i32
      %dma_wait3A_394 = tpu.memref_slice %arg6[%dma_wait3A_380, %dma_wait3A_392, %dma_wait3A_393] : memref<5x128x128xf32, #tpu.memory_space<vmem>> -> memref<1x128x128xf32, #tpu.memory_space<vmem>>
      %dma_wait3A_395 = tpu.memref_squeeze %dma_wait3A_394 : memref<1x128x128xf32, #tpu.memory_space<vmem>> -> memref<128x128xf32, #tpu.memory_space<vmem>>
      tpu.wait_dma2 semaphore(%dma_wait3A_389 : memref<!tpu.dma_semaphore, #tpu.memory_space<semaphore_mem>>) src(%dma_wait3A_395 : memref<128x128xf32, #tpu.memory_space<vmem>>) dst(%dma_wait3A_391 : memref<128x128xf32, #tpu.memory_space<hbm>>)
      %lt3A_396 = arith.constant 9 : i32
      %lt3A_397 = arith.cmpi slt, %scan3A_90, %lt3A_396 : i32
      %convert_element_type3A_398 = arith.extui %lt3A_397 : i1 to i32
      %cond3A_399 = arith.constant 0 : i32
      %cond3A_400 = arith.cmpi ne, %convert_element_type3A_398, %cond3A_399 : i32
      scf.if %cond3A_400 {
        %add3A_401 = arith.constant 2 : i32
        %add3A_402 = arith.addi %add3A_338, %add3A_401 : i32
        %mul3A_403 = arith.constant 128 : i32
        %mul3A_404 = arith.muli %add3A_402, %mul3A_403 : i32
        %multiple_of3A_405 = tpu.assume_multiple %mul3A_404, 128 : i32
        %dma_start3A_406 = arith.constant 1 : i32
        %dma_start3A_407 = arith.constant 1 : i32
        %dma_start3A_408 = arith.constant 0 : i32
        %dma_start3A_409 = arith.constant 0 : i32
        %dma_start3A_410 = tpu.memref_slice %arg6[%dma_start3A_406, %dma_start3A_408, %dma_start3A_409] : memref<5x128x128xf32, #tpu.memory_space<vmem>> -> memref<1x128x128xf32, #tpu.memory_space<vmem>>
        %dma_start3A_411 = tpu.memref_squeeze %dma_start3A_410 : memref<1x128x128xf32, #tpu.memory_space<vmem>> -> memref<128x128xf32, #tpu.memory_space<vmem>>
        %dma_start3A_412 = tpu.memref_slice %arg5[%multiple_of3A_405] : memref<6400xi32, #tpu.memory_space<vmem>> -> memref<128xi32, #tpu.memory_space<vmem>>
        %dma_start3A_413 = arith.constant 0 : i32
        %dma_start3A_414 = arith.constant 0 : i32
        %dma_start3A_415 = tpu.memref_slice %arg3[%dma_start3A_413, %dma_start3A_414] : memref<100000x128xf32, #tpu.memory_space<hbm>> -> memref<100000x128xf32, #tpu.memory_space<hbm>>
        %dma_start3A_416 = tpu.memref_slice %arg7[%dma_start3A_407] : memref<5x!tpu.dma_semaphore, #tpu.memory_space<semaphore_mem>> -> memref<1x!tpu.dma_semaphore, #tpu.memory_space<semaphore_mem>>
        %dma_start3A_417 = tpu.memref_squeeze %dma_start3A_416 : memref<1x!tpu.dma_semaphore, #tpu.memory_space<semaphore_mem>> -> memref<!tpu.dma_semaphore, #tpu.memory_space<semaphore_mem>>
        tpu.enqueue_indirect_dma source(%dma_start3A_415 : memref<100000x128xf32, #tpu.memory_space<hbm>>) target(%dma_start3A_411 : memref<128x128xf32, #tpu.memory_space<vmem>>) offsets(%dma_start3A_412 : memref<128xi32, #tpu.memory_space<vmem>>) semaphore(%dma_start3A_417 : memref<!tpu.dma_semaphore, #tpu.memory_space<semaphore_mem>>)
      } else {
      }
    }
    %scan3A_33 = arith.constant 10 : i32
    %multiple_of3A_34 = arith.constant 6016 : i32
    %multiple_of3A_35 = tpu.assume_multiple %multiple_of3A_34, 128 : i32
    %add3A_36 = arith.addi %mul3A_2, %multiple_of3A_35 : i32
    %dma_wait3A = arith.constant 2 : i32
    %dma_wait3A_37 = arith.constant 2 : i32
    %dma_wait3A_38 = arith.constant 0 : i32
    %dma_wait3A_39 = arith.constant 0 : i32
    %dma_wait3A_40 = tpu.memref_slice %arg6[%dma_wait3A, %dma_wait3A_38, %dma_wait3A_39] : memref<5x128x128xf32, #tpu.memory_space<vmem>> -> memref<1x128x128xf32, #tpu.memory_space<vmem>>
    %dma_wait3A_41 = tpu.memref_squeeze %dma_wait3A_40 : memref<1x128x128xf32, #tpu.memory_space<vmem>> -> memref<128x128xf32, #tpu.memory_space<vmem>>
    %dma_wait3A_42 = arith.constant 0 : i32
    %dma_wait3A_43 = tpu.memref_slice %arg4[%add3A_36, %dma_wait3A_42] : memref<204800x128xf32, #tpu.memory_space<hbm>> -> memref<128x128xf32, #tpu.memory_space<hbm>>
    %dma_wait3A_44 = tpu.memref_slice %arg8[%dma_wait3A_37] : memref<5x!tpu.dma_semaphore, #tpu.memory_space<semaphore_mem>> -> memref<1x!tpu.dma_semaphore, #tpu.memory_space<semaphore_mem>>
    %dma_wait3A_45 = tpu.memref_squeeze %dma_wait3A_44 : memref<1x!tpu.dma_semaphore, #tpu.memory_space<semaphore_mem>> -> memref<!tpu.dma_semaphore, #tpu.memory_space<semaphore_mem>>
    %dma_wait3A_46 = arith.constant 0 : i32
    %dma_wait3A_47 = tpu.memref_slice %arg4[%add3A_36, %dma_wait3A_46] : memref<204800x128xf32, #tpu.memory_space<hbm>> -> memref<128x128xf32, #tpu.memory_space<hbm>>
    %dma_wait3A_48 = arith.constant 0 : i32
    %dma_wait3A_49 = arith.constant 0 : i32
    %dma_wait3A_50 = tpu.memref_slice %arg6[%dma_wait3A, %dma_wait3A_48, %dma_wait3A_49] : memref<5x128x128xf32, #tpu.memory_space<vmem>> -> memref<1x128x128xf32, #tpu.memory_space<vmem>>
    %dma_wait3A_51 = tpu.memref_squeeze %dma_wait3A_50 : memref<1x128x128xf32, #tpu.memory_space<vmem>> -> memref<128x128xf32, #tpu.memory_space<vmem>>
    tpu.wait_dma2 semaphore(%dma_wait3A_45 : memref<!tpu.dma_semaphore, #tpu.memory_space<semaphore_mem>>) src(%dma_wait3A_51 : memref<128x128xf32, #tpu.memory_space<vmem>>) dst(%dma_wait3A_47 : memref<128x128xf32, #tpu.memory_space<hbm>>)
    %multiple_of3A_52 = arith.constant 6144 : i32
    %multiple_of3A_53 = tpu.assume_multiple %multiple_of3A_52, 128 : i32
    %add3A_54 = arith.addi %mul3A_2, %multiple_of3A_53 : i32
    %dma_wait3A_55 = arith.constant 3 : i32
    %dma_wait3A_56 = arith.constant 3 : i32
    %dma_wait3A_57 = arith.constant 0 : i32
    %dma_wait3A_58 = arith.constant 0 : i32
    %dma_wait3A_59 = tpu.memref_slice %arg6[%dma_wait3A_55, %dma_wait3A_57, %dma_wait3A_58] : memref<5x128x128xf32, #tpu.memory_space<vmem>> -> memref<1x128x128xf32, #tpu.memory_space<vmem>>
    %dma_wait3A_60 = tpu.memref_squeeze %dma_wait3A_59 : memref<1x128x128xf32, #tpu.memory_space<vmem>> -> memref<128x128xf32, #tpu.memory_space<vmem>>
    %dma_wait3A_61 = arith.constant 0 : i32
    %dma_wait3A_62 = tpu.memref_slice %arg4[%add3A_54, %dma_wait3A_61] : memref<204800x128xf32, #tpu.memory_space<hbm>> -> memref<128x128xf32, #tpu.memory_space<hbm>>
    %dma_wait3A_63 = tpu.memref_slice %arg8[%dma_wait3A_56] : memref<5x!tpu.dma_semaphore, #tpu.memory_space<semaphore_mem>> -> memref<1x!tpu.dma_semaphore, #tpu.memory_space<semaphore_mem>>
    %dma_wait3A_64 = tpu.memref_squeeze %dma_wait3A_63 : memref<1x!tpu.dma_semaphore, #tpu.memory_space<semaphore_mem>> -> memref<!tpu.dma_semaphore, #tpu.memory_space<semaphore_mem>>
    %dma_wait3A_65 = arith.constant 0 : i32
    %dma_wait3A_66 = tpu.memref_slice %arg4[%add3A_54, %dma_wait3A_65] : memref<204800x128xf32, #tpu.memory_space<hbm>> -> memref<128x128xf32, #tpu.memory_space<hbm>>
    %dma_wait3A_67 = arith.constant 0 : i32
    %dma_wait3A_68 = arith.constant 0 : i32
    %dma_wait3A_69 = tpu.memref_slice %arg6[%dma_wait3A_55, %dma_wait3A_67, %dma_wait3A_68] : memref<5x128x128xf32, #tpu.memory_space<vmem>> -> memref<1x128x128xf32, #tpu.memory_space<vmem>>
    %dma_wait3A_70 = tpu.memref_squeeze %dma_wait3A_69 : memref<1x128x128xf32, #tpu.memory_space<vmem>> -> memref<128x128xf32, #tpu.memory_space<vmem>>
    tpu.wait_dma2 semaphore(%dma_wait3A_64 : memref<!tpu.dma_semaphore, #tpu.memory_space<semaphore_mem>>) src(%dma_wait3A_70 : memref<128x128xf32, #tpu.memory_space<vmem>>) dst(%dma_wait3A_66 : memref<128x128xf32, #tpu.memory_space<hbm>>)
    %multiple_of3A_71 = arith.constant 6272 : i32
    %multiple_of3A_72 = tpu.assume_multiple %multiple_of3A_71, 128 : i32
    %add3A_73 = arith.addi %mul3A_2, %multiple_of3A_72 : i32
    %dma_wait3A_74 = arith.constant 4 : i32
    %dma_wait3A_75 = arith.constant 4 : i32
    %dma_wait3A_76 = arith.constant 0 : i32
    %dma_wait3A_77 = arith.constant 0 : i32
    %dma_wait3A_78 = tpu.memref_slice %arg6[%dma_wait3A_74, %dma_wait3A_76, %dma_wait3A_77] : memref<5x128x128xf32, #tpu.memory_space<vmem>> -> memref<1x128x128xf32, #tpu.memory_space<vmem>>
    %dma_wait3A_79 = tpu.memref_squeeze %dma_wait3A_78 : memref<1x128x128xf32, #tpu.memory_space<vmem>> -> memref<128x128xf32, #tpu.memory_space<vmem>>
    %dma_wait3A_80 = arith.constant 0 : i32
    %dma_wait3A_81 = tpu.memref_slice %arg4[%add3A_73, %dma_wait3A_80] : memref<204800x128xf32, #tpu.memory_space<hbm>> -> memref<128x128xf32, #tpu.memory_space<hbm>>
    %dma_wait3A_82 = tpu.memref_slice %arg8[%dma_wait3A_75] : memref<5x!tpu.dma_semaphore, #tpu.memory_space<semaphore_mem>> -> memref<1x!tpu.dma_semaphore, #tpu.memory_space<semaphore_mem>>
    %dma_wait3A_83 = tpu.memref_squeeze %dma_wait3A_82 : memref<1x!tpu.dma_semaphore, #tpu.memory_space<semaphore_mem>> -> memref<!tpu.dma_semaphore, #tpu.memory_space<semaphore_mem>>
    %dma_wait3A_84 = arith.constant 0 : i32
    %dma_wait3A_85 = tpu.memref_slice %arg4[%add3A_73, %dma_wait3A_84] : memref<204800x128xf32, #tpu.memory_space<hbm>> -> memref<128x128xf32, #tpu.memory_space<hbm>>
    %dma_wait3A_86 = arith.constant 0 : i32
    %dma_wait3A_87 = arith.constant 0 : i32
    %dma_wait3A_88 = tpu.memref_slice %arg6[%dma_wait3A_74, %dma_wait3A_86, %dma_wait3A_87] : memref<5x128x128xf32, #tpu.memory_space<vmem>> -> memref<1x128x128xf32, #tpu.memory_space<vmem>>
    %dma_wait3A_89 = tpu.memref_squeeze %dma_wait3A_88 : memref<1x128x128xf32, #tpu.memory_space<vmem>> -> memref<128x128xf32, #tpu.memory_space<vmem>>
    tpu.wait_dma2 semaphore(%dma_wait3A_83 : memref<!tpu.dma_semaphore, #tpu.memory_space<semaphore_mem>>) src(%dma_wait3A_89 : memref<128x128xf32, #tpu.memory_space<vmem>>) dst(%dma_wait3A_85 : memref<128x128xf32, #tpu.memory_space<hbm>>)
    return
  }
}

</mosaic_0001>

<sc_bundles>
// kernel: kernel.3.cloned.1.call-start
scs
__scs_entry_jumppad:
0x0: {  	(pc) =	sbr.rel $0x88, $3  }
0x1: {  	(tag) =	ssettag $0x0;
	lr =	simm.s32 $0x1  }
0x2: {  	[smem:$0x3F9F] =	sst lr;
	_ =	strace $0xD0000000  }
0x3: {  	_ = 	snop  }
0x4: {  	_ = 	snop  }
0x5: {  	_ = 	snop  }
0x6: {  	_ = 	snop  }
0x7: {  	_ = 	snop  }
__scs_overlays_trampoline_lowered:
0x8: {  	[smem:$0x3FAE] =	sst s0  }
0x9: {  	[smem:$0x3FAF] =	sst s1  }
0xa: {  	[smem:$0x3FB0] =	sst s2  }
0xb: {  	[smem:$0x3FB1] =	sst s3  }
0xc: {  	[smem:$0x3FB2] =	sst s4  }
0xd: {  	[smem:$0x3FB3] =	sst s5  }
0xe: {  	[smem:$0x3FB4] =	sst s6  }
0xf: {  	[smem:$0x3FB5] =	sst s7  }
0x10: {  	[smem:$0x3FB6] =	sst s8  }
0x11: {  	[smem:$0x3FB7] =	sst s9;
	s0 =	simm.s32 @!p0 $0x0  }
0x12: {  	s1 =	sld [smem:$0x3F9D];
	s0 =	simm.s32 @p0 $0x1  }
0x13: {  	[smem:$0x3FB8] =	sst s0;
	s0 =	simm.s32 @!p1 $0x0  }
0x14: {  	s2 =	sld [smem:$0x3F9C];
	s0 =	simm.s32 @p1 $0x1  }
0x15: {  	[smem:$0x3FB9] =	sst s0;
	s0 =	simm.s32 @!p2 $0x0  }
0x16: {  	s3 =	sld [smem:$0x3FDB];
	s0 =	simm.s32 @p2 $0x1  }
0x17: {  	s4 =	simm.s32 $0x1BF5;
	[smem:$0x3FBB] =	sst s0  }
0x18: {  	s0 =	sld [smem:$0x3F9E];
	_ =	swait.ge [sflag:s4], $0x0  }
0x19: {  	s7 =	sld [smem:$0x3F9F]  }
0x1a: {  	s8 =	sadd.s32 $0xFFFFE003, lr  }
0x1b: {  	s9 =	sadd.s32 $0xFFFFFEF7, lr;
	s5 =	simm.s32 $0xFFFFFFFF;
	p2 =	slt.u32 s8, $0xFFFFF086  }
0x1c: {  	p1 =	slt.u32 s9, $0xF7A;
	s5 =	simm.s32 @!p2 $0x0  }
0x1d: {  	s5 =	simm.s32 @p1 $0x1;
	p0 =	seq.s32 s7, s2  }
0x1e: {  	s7 =	smul.u32 @!p0 $0xF7A, s2;
	p2 =	seq.s32 @!p0 s5, $0x0  }
0x1f: {  	s9 =	smul.u32 $0xF7A, s1;
	s8 =	simm.s32 @!p0 $0x1BF5;
	p2 =	por !p2, p0  }
0x20: {  	[sflag:s8] =	ssyncset.s32 @!p0 $0xFFFFF086;
	s6 =	sadd.s32 @!p0 s3, s7;
	s7 =	simm.s32 @!p0 $0x108  }
0x21: {  	s3 =	sadd.s32 s3, s9;
	s6 =	sadd.s32 @!p0 $0x88, s6;
	s7 =	simm.s32 @p2 $0x1082  }
0x22: {  	[simem:s7], [sflag:s8] =	dma.local @!p0 [hbm:s6], $0xF7A  }
0x23: {  	s9 =	sor.u32 $0xD0000000, s2;
	s6 =	simm.s32 $0x108;
	_ =	swait.ge @!p0 [sflag:s8], $0x0  }
0x24: {  	s3 =	sadd.s32 $0x88, s3;
	s6 =	simm.s32 @!p1 $0x1082;
	[sflag:s4] =	ssyncset.s32 $0xFFFFF086  }
0x25: {  	[simem:s6], [sflag:s4] =	dma.local [hbm:s3], $0xF7A  }
0x26: {  	[smem:$0x3F9F] =	sst s1;
	(tag) =	ssettag s2;
	_ =	strace s9  }
0x27: {  	s1 =	sld [smem:$0x3FAF]  }
0x28: {  	s2 =	sld [smem:$0x3FB0]  }
0x29: {  	s4 =	sld [smem:$0x3FB2]  }
0x2a: {  	p0 =	seq.s32 s5, $0x0;
	s5 =	sld [smem:$0x3FB3]  }
0x2b: {  	s6 =	sld [smem:$0x3FB4]  }
0x2c: {  	s7 =	sld [smem:$0x3FB5]  }
0x2d: {  	s3 =	simm.s32 $0x108;
	s8 =	sld [smem:$0x3FB6]  }
0x2e: {  	s3 =	simm.s32 @!p0 $0x1082;
	s9 =	sld [smem:$0x3FB7]  }
0x2f: {  	lr =	sadd.s32 s0, s3;
	s0 =	sld [smem:$0x3FAE]  }
0x30: {  	s3 =	sld [smem:$0x3FB1]  }
0x31: {  	[smem:$0x3FBA] =	sst s10  }
0x32: {  	s10 =	sld [smem:$0x3FB8];
	_ =	sdelay $0x3  }
0x33: {  	p0 =	seq.s32 s10, $0x1;
	s10 =	sld [smem:$0x3FBA];
	_ =	sdelay $0x3  }
0x34: {  	[smem:$0x3FBA] =	sst s10  }
0x35: {  	s10 =	sld [smem:$0x3FB9];
	_ =	sdelay $0x3  }
0x36: {  	p1 =	seq.s32 s10, $0x1;
	s10 =	sld [smem:$0x3FBA];
	_ =	sdelay $0x3  }
0x37: {  	[smem:$0x3FBA] =	sst s10  }
0x38: {  	s10 =	sld [smem:$0x3FBB]  }
0x39: {  	_ = 	snop;
	(pc) =	sbr.ind lr, $3  }
0x3a: {  	_ = 	snop  }
0x3b: {  	_ = 	snop  }
0x3c: {  	p2 =	seq.s32 s10, $0x1;
	s10 =	sld [smem:$0x3FBA]  }
0x3d: {  	_ =	shalt  }
0x3e: {  	_ =	shalt  }
0x3f: {  	_ =	shalt  }
0x40: {  	_ =	shalt  }
0x41: {  	_ =	shalt  }
0x42: {  	_ =	shalt  }
0x43: {  	_ =	shalt  }
0x44: {  	_ =	shalt  }
0x45: {  	_ =	shalt  }
0x46: {  	_ =	shalt  }
0x47: {  	_ =	shalt  }
0x48: {  	_ =	shalt  }
0x49: {  	_ =	shalt  }
0x4a: {  	_ =	shalt  }
0x4b: {  	_ =	shalt  }
0x4c: {  	_ =	shalt  }
0x4d: {  	_ =	shalt  }
0x4e: {  	_ =	shalt  }
0x4f: {  	_ =	shalt  }
0x50: {  	_ =	shalt  }
0x51: {  	_ =	shalt  }
0x52: {  	_ =	shalt  }
0x53: {  	_ =	shalt  }
0x54: {  	_ =	shalt  }
0x55: {  	_ =	shalt  }
0x56: {  	_ =	shalt  }
0x57: {  	_ =	shalt  }
0x58: {  	_ =	shalt  }
0x59: {  	_ =	shalt  }
0x5a: {  	_ =	shalt  }
0x5b: {  	_ =	shalt  }
0x5c: {  	_ =	shalt  }
0x5d: {  	_ =	shalt  }
0x5e: {  	_ =	shalt  }
0x5f: {  	_ =	shalt  }
0x60: {  	_ =	shalt  }
0x61: {  	_ =	shalt  }
0x62: {  	_ =	shalt  }
0x63: {  	_ =	shalt  }
0x64: {  	_ =	shalt  }
0x65: {  	_ =	shalt  }
0x66: {  	_ =	shalt  }
0x67: {  	_ =	shalt  }
0x68: {  	_ =	shalt  }
0x69: {  	_ =	shalt  }
0x6a: {  	_ =	shalt  }
0x6b: {  	_ =	shalt  }
0x6c: {  	_ =	shalt  }
0x6d: {  	_ =	shalt  }
0x6e: {  	_ =	shalt  }
0x6f: {  	_ =	shalt  }
0x70: {  	_ =	shalt  }
0x71: {  	_ =	shalt  }
0x72: {  	_ =	shalt  }
0x73: {  	_ =	shalt  }
0x74: {  	_ =	shalt  }
0x75: {  	_ =	shalt  }
0x76: {  	_ =	shalt  }
0x77: {  	_ =	shalt  }
0x78: {  	_ =	shalt  }
0x79: {  	_ =	shalt  }
0x7a: {  	_ =	shalt  }
0x7b: {  	_ =	shalt  }
0x7c: {  	_ =	shalt  }
0x7d: {  	_ =	shalt  }
0x7e: {  	_ =	shalt  }
0x7f: {  	_ =	shalt  }
0x80: {  	_ =	shalt  }
0x81: {  	_ =	shalt  }
0x82: {  	_ =	shalt  }
0x83: {  	_ =	shalt  }
0x84: {  	_ =	shalt  }
0x85: {  	_ =	shalt  }
0x86: {  	_ =	shalt  }
0x87: {  	_ =	shalt  }
.Lfunc_end0:
.L_simem_size_0:
called_computation.1_lowered:
.L_overlay_start_0:
0x88: {  	s2 =	sld [smem:$0x3FD9]  }
0x89: {  	s3 =	sld [smem:$0x3FFE];
	_ =	sdelay $0x1  }
0x8a: {  	s1 =	srdreg.scid  }
0x8b: {  	s0 =	sand.u32 $0x1, s1  }
0x8c: {  	s17 =	sshll.u32 s0, $0xA;
	s2 =	sadd.s32 s3, s2  }
0x8d: {  	s2 =	sadd.s32 s2, s17  }
0x8e: {  	[smem:$0x3FC6] =	sst s2  }
0x8f: {  	_ = 	snop  }
0x90: {  	s2 =	sld [smem:$0x3FC8]  }
0x91: {  	s18 =	sld [smem:$0x3FD0];
	(tm) =	ssettm $0x1  }
0x92: {  	s4 =	sld [smem:$0x3FFB];
	_ =	sdelay $0x3  }
0x93: {  	_ =	strace s4  }
0x94: {  	s4 =	sld [smem:$0x3FFC];
	_ =	sdelay $0x3  }
0x95: {  	_ =	strace s4  }
0x96: {  	s4 =	sld [smem:$0x3FFD];
	_ =	sdelay $0x3  }
0x97: {  	_ =	strace s4  }
0x98: {  	_ =	strace $0x8FFFFFFF  }
0x99: {  	s19 =	sld [smem:$0x3FDB];
	_ =	sdelay $0x1  }
0x9a: {  	s5 =	simm.s32 $_scs_section_size  }
0x9b: {  	s6 =	simm.s32 $_size__tile_overlayer_lowered;
	s7 =	simm.s32 $_tile_overlayer_lowered  }
0x9c: {  	s22 =	simm.s32 $0x1BFF;
	s21 =	sshll.u32 s7, $0x1;
	s4 =	sadd.s32 s5, s19  }
0x9d: {  	s8 =	simm.s32 $0x0;
	s20 =	sshll.u32 s6, $0x1;
	s6 =	sadd.s32 s21, s4  }
0x9e: {  	[timem:s8], [sflag:s22] =	dma.local [hbm:s6], s20  }
0x9f: {  	_ =	swait.ge [sflag:s22], s20  }
0xa0: {  	s5 =	ssub.s32 $0x0, s20;
	[sflag:s22] =	ssyncset.done $0x0  }
0xa1: {  	[sflag:s22] =	ssyncadd.s32 s5;
	_ =	sdelay $0x1  }
0xa2: {  	s23 =	simm.s32 $0x1B8B  }
0xa3: {  	_ =	swait.ge [sflag:s23], $0x1  }
0xa4: {  	[sflag:s23] =	ssyncset.done $0x0  }
0xa5: {  	s25 =	simm.s32 $0x1B8E;
	s24 =	sld [smem:$0x3FFE];
	[sflag:s23] =	ssyncadd.s32 $0xFFFFFFFF  }
0xa6: {  	s26 =	simm.s32 $execute0_lowered;
	[smem:$0x3FD2] =	sst s25  }
0xa7: {  	s6 =	sshll.u32 s26, $0x1;
	_ =	strace $0x80000046;
	[dreg:$0x1] =	wrdreg $0xFFFFFFFF  }
0xa8: {  	s28 =	simm.s32 $_size_execute0_lowered;
	s4 =	sadd.s32 s4, s6;
	[dreg:$0x0] =	wrdreg $0x0  }
0xa9: {  	s6 =	sshll.u32 s28, $0x1;
	[dreg:$0x2] =	wrdreg s4  }
0xaa: {  	[dreg:$0x3] =	wrdreg s6  }
0xab: {  	[dreg:$0x4] =	wrdreg $0xC0  }
0xac: {  	_ =	task [dreg:s8], $0x5FFFF  }
0xad: {  	[dreg:$0x1] =	wrdreg $0xFFFFFFFF  }
0xae: {  	[dreg:$0x0] =	wrdreg $0x60  }
0xaf: {  	[dreg:$0x2] =	wrdreg s24  }
0xb0: {  	[dreg:$0x3] =	wrdreg s2  }
0xb1: {  	[dreg:$0x4] =	wrdreg s18  }
0xb2: {  	[dreg:$0x5] =	wrdreg $0x9  }
0xb3: {  	_ =	task.clear_ibuf [dreg:s8], $0x6FFFF;
	_ =	strace $0x90000046  }
0xb4: {  	s29 =	simm.s32 $0x9;
	_ =	strace $0x80000048  }
0xb5: {  	_ =	swait.ge [sflag:s29], $0x1  }
0xb6: {  	[sflag:s29] =	ssyncadd.s32 $0xFFFFFFFF  }
0xb7: {  	_ =	strace $0x90000048  }
0xb8: {  	_ =	sfence  }
0xb9: {  	s30 =	sld [smem:$0x0];
	_ =	sdelay $0x2  }
0xba: {  	s31 =	sshll.u32 s1, $0xD;
	s1 =	sshrl.u32 s1, $0x2  }
0xbb: {  	s3 =	sand.u32 $0x4000, s31;
	s1 =	sadd.s32 s1, s30  }
0xbc: {  	s0 =	sor.u32 s3, s0;
	s1 =	sshll.u32 s1, $0x11  }
0xbd: {  	s0 =	sor.u32 s1, s0  }
0xbe: {  	s0 =	sadd.s32 $0x8F2B, s0  }
0xbf: {  	[sflag:s0] =	ssyncadd.remote.s32 $0x1  }
0xc0: {  	_ =	sfence.sel $0xFFFF  }
0xc1: {  	[dreg:$0x0] =	wrdreg $0xFFFFFFFF;
	(pc) =	sbr.abs _section_cstart, $3  }
0xc2: {  	[dreg:$0x1] =	wrdreg $0xFFFFFFFF  }
0xc3: {  	_ =	task.clear_ibuf [dreg:s8], $0x2FFFF;
	_ =	strace $0x9FFFFFFF  }
0xc4: {  	(tm) =	ssettm $0x7FFFFFFF  }
0xc5: {  	_ =	shalt  }
tec
execute0_lowered:
.L_overlay_start_1:
0x0: {  	(tag) =	ssettag $0x1  }
0x1: {  	s4 =	rddreg [dreg:$0x0]  }
0x2: {  	s1 =	srdreg.scid;
	s2 =	rddreg [dreg:$0x1]  }
0x3: {  	s0 =	stileid.u32;
	s6 =	rddreg [dreg:$0x2]  }
0x4: {  	s3 =	simm.s32 $0x0;
	s11 =	simm.s32 $0x1;
	s12 =	simm.s32 $0x9900  }
0x5: {  	s13 =	simm.s32 $0x2;
	s14 =	simm.s32 $0xD900;
	s15 =	simm.s32 $0x3  }
0x6: {  	s16 =	simm.s32 $0x11900;
	s17 =	simm.s32 $0x4;
	s18 =	simm.s32 $0x6  }
0x7: {  	s19 =	simm.s32 $0x5;
	s20 =	simm.s32 $0x7;
	s21 =	simm.s32 $0x8  }
0x8: {  	s22 =	simm.s32 $0x9;
	s23 =	simm.s32 $0xA;
	s5 =	sand.u32 $0x1, s1  }
0x9: {  	s30 =	sshll.u32 s0, $0x1;
	s1 =	rddreg [dreg:$0x3];
	s8 =	smul.u32 $0x32000, s0  }
0xa: {  	s7 =	sor.u32 s5, s30;
	s9 =	ssub.s32 $0x2, s5;
	s5 =	smul.u32 $0x19000, s5  }
0xb: {  	s24 =	simm.s32 $0x0;
	[smem:$0x7FF] =	sst s3;
	s7 =	smul.u32 $0x1900, s7  }
.Ltmp0:
0xc: {  	_ =	strace $0x80000047;
	s10 =	sshrl.u32 s9, $0x1;
	(pc) =	sbr.rel .LBB2_1-.Ltmp0, $4  }
0xd: {  	s6 =	sadd.s32 s8, s6;
	s8 =	simm.s32 $0x80;
	s31 =	ssub.s32 s9, s10  }
0xe: {  	s6 =	sadd.s32 s5, s6;
	s9 =	simm.s32 $0x1900;
	s7 =	sshrl.u32 s7, $0x3  }
0xf: {  	s10 =	simm.s32 $0x5900;
	s5 =	smax.u32 s31, $0x1;
	s4 =	sadd.s32 s7, s4  }
0x10: {  	s6 =	sadd.s32 $0x2000, s6;
	s7 =	simm.s32 $0xB;
	s4 =	sadd.s32 $0x800, s4  }
.LBB2_4:
0x11: {  	_ =	swait.ge [sflag:s21], $0x4000  }
0x12: {  	[sflag:s21] =	ssyncset.done $0x0  }
0x13: {  	s24 =	sadd.s32 $0x1, s24;
	[sflag:s21] =	ssyncadd.s32 $0xFFFFC000  }
0x14: {  	p0 =	sne.s32 s24, s5;
	_ =	swait.ge [sflag:s22], $0x4000  }
.Ltmp1:
0x15: {  	[sflag:s22] =	ssyncset.done $0x0;
	(pc) =	sbr.rel @!p0 .LBB2_5-.Ltmp1, $4  }
0x16: {  	[sflag:s22] =	ssyncadd.s32 $0xFFFFC000  }
0x17: {  	_ =	swait.ge [sflag:s23], $0x4000  }
0x18: {  	[sflag:s23] =	ssyncset.done $0x0  }
0x19: {  	[sflag:s23] =	ssyncadd.s32 $0xFFFFC000  }
.LBB2_1:
0x1a: {  	[tilespmem:s3], [sflag:$0xB] =	stream.linear.gather [hbm4b:s4+s3], $0x1900, $0x38;
	[tilespmem:$0x15900] =	vst v63  }
0x1b: {  	_ =	swait.ge [sflag:s7], $0x1900  }
0x1c: {  	[sflag:s7] =	ssyncset.done $0x0  }
0x1d: {  	[sflag:s7] =	ssyncadd.s32 $0xFFFFE700  }
0x1e: {  	[tilespmem:s9], [sflag:$0x1] =	stream.indirect.gather [hbm4b:s2+s8], $0x80, s3, s8, $0xb8;
	[tilespmem:$0x15900] =	vst v63  }
0x1f: {  	s25 =	smov.u32 s6;
	s26 =	simm.s32 $0x0  }
0x20: {  	[tilespmem:s10], [sflag:$0x2] =	stream.indirect.gather [hbm4b:s2+s8], $0x80, s8, s8, $0xb8;
	[tilespmem:$0x15900] =	vst v63  }
.LBB2_2:
0x21: {  	_ =	swait.ge [sflag:s11], $0x4000  }
0x22: {  	p0 =	seq.s32 s26, $0x0;
	[sflag:s11] =	ssyncset.done $0x0  }
0x23: {  	s28 =	sadd.s32 $0xFFFFE000, s25;
	s29 =	simm.s32 @!p0 $0x8;
	[sflag:s11] =	ssyncadd.s32 $0xFFFFC000  }
0x24: {  	[hbm4b:s28+s3] =	stream.linear.scatter [tilespmem:s9], [sflag:$0x6], $0x4000, $0x38;
	[tilespmem:$0x15900] =	vst v63  }
0x25: {  	_ =	swait.ge @!p0 [sflag:s29], $0x4000  }
0x26: {  	s28 =	sshra.s32 s26, $0x2;
	[sflag:s29] =	ssyncset.done @!p0 $0x0  }
0x27: {  	s30 =	sadd.s32 $0x100, s28;
	[sflag:s29] =	ssyncadd.s32 @!p0 $0xFFFFC000  }
0x28: {  	[tilespmem:s12], [sflag:$0x3] =	stream.indirect.gather [hbm4b:s2+s8], $0x80, s30, s8, $0xb8;
	[tilespmem:$0x15900] =	vst v63  }
0x29: {  	_ =	swait.ge [sflag:s13], $0x4000  }
0x2a: {  	[sflag:s13] =	ssyncset.done $0x0  }
0x2b: {  	s31 =	sadd.s32 $0xFFFFE800, s25;
	s29 =	simm.s32 @!p0 $0x9;
	[sflag:s13] =	ssyncadd.s32 $0xFFFFC000  }
0x2c: {  	[hbm4b:s31+s3] =	stream.linear.scatter [tilespmem:s10], [sflag:$0x7], $0x4000, $0x38;
	[tilespmem:$0x15900] =	vst v63  }
0x2d: {  	_ =	swait.ge @!p0 [sflag:s29], $0x4000  }
0x2e: {  	[sflag:s29] =	ssyncset.done @!p0 $0x0  }
0x2f: {  	s30 =	sadd.s32 $0x180, s28;
	[sflag:s29] =	ssyncadd.s32 @!p0 $0xFFFFC000  }
0x30: {  	[tilespmem:s14], [sflag:$0x4] =	stream.indirect.gather [hbm4b:s2+s8], $0x80, s30, s8, $0xb8;
	[tilespmem:$0x15900] =	vst v63  }
0x31: {  	_ =	swait.ge [sflag:s15], $0x4000  }
0x32: {  	[sflag:s15] =	ssyncset.done $0x0  }
0x33: {  	s31 =	sadd.s32 $0xFFFFF000, s25;
	s29 =	simm.s32 @!p0 $0xA;
	[sflag:s15] =	ssyncadd.s32 $0xFFFFC000  }
0x34: {  	[hbm4b:s31+s3] =	stream.linear.scatter [tilespmem:s12], [sflag:$0x8], $0x4000, $0x38;
	[tilespmem:$0x15900] =	vst v63  }
0x35: {  	_ =	swait.ge @!p0 [sflag:s29], $0x4000  }
0x36: {  	[sflag:s29] =	ssyncset.done @!p0 $0x0  }
0x37: {  	s30 =	sadd.s32 $0x200, s28;
	[sflag:s29] =	ssyncadd.s32 @!p0 $0xFFFFC000  }
0x38: {  	[tilespmem:s16], [sflag:$0x5] =	stream.indirect.gather [hbm4b:s2+s8], $0x80, s30, s8, $0xb8;
	[tilespmem:$0x15900] =	vst v63  }
0x39: {  	_ =	swait.ge [sflag:s17], $0x4000  }
0x3a: {  	[sflag:s17] =	ssyncset.done $0x0  }
0x3b: {  	s31 =	sadd.s32 $0xFFFFF800, s25;
	[sflag:s17] =	ssyncadd.s32 $0xFFFFC000  }
0x3c: {  	[hbm4b:s31+s3] =	stream.linear.scatter [tilespmem:s14], [sflag:$0x9], $0x4000, $0x38;
	[tilespmem:$0x15900] =	vst v63  }
0x3d: {  	p0 =	seq.s32 s26, $0x5A00;
	_ =	swait.ge [sflag:s18], $0x4000  }
0x3e: {  	s29 =	sshra.s32 @!p0 s26, $0x2;
	s30 =	simm.s32 @!p0 $0x80;
	[sflag:s18] =	ssyncset.done $0x0  }
0x3f: {  	s29 =	sadd.s32 @!p0 $0x280, s29;
	s31 =	simm.s32 @!p0 $0x1900;
	[sflag:s18] =	ssyncadd.s32 $0xFFFFC000  }
0x40: {  	[tilespmem:s31], [sflag:$0x1] =	stream.indirect.gather @!p0 [hbm4b:s2+s30], $0x80, s29, s30, $0xb8;
	[tilespmem:$0x15900] =	vst v63  }
0x41: {  	_ =	swait.ge [sflag:s19], $0x4000  }
0x42: {  	[sflag:s19] =	ssyncset.done $0x0  }
.Ltmp2:
0x43: {  	[sflag:s19] =	ssyncadd.s32 $0xFFFFC000;
	(pc) =	sbr.rel @p0 .LBB2_4-.Ltmp2, $4  }
0x44: {  	[hbm4b:s25+s3] =	stream.linear.scatter [tilespmem:s16], [sflag:$0xA], $0x4000, $0x38;
	[tilespmem:$0x15900] =	vst v63  }
0x45: {  	_ =	swait.ge [sflag:s20], $0x4000  }
0x46: {  	[sflag:s20] =	ssyncset.done $0x0  }
0x47: {  	[sflag:s20] =	ssyncadd.s32 $0xFFFFC000  }
.Ltmp3:
0x48: {  	(pc) =	sbr.rel .LBB2_2-.Ltmp3, $3  }
0x49: {  	_ =	sdelay $0x1  }
0x4a: {  	s28 =	sadd.s32 $0x300, s28;
	s26 =	sadd.s32 $0xA00, s26;
	s25 =	sadd.s32 $0x2800, s25  }
0x4b: {  	[tilespmem:s10], [sflag:$0x2] =	stream.indirect.gather [hbm4b:s2+s8], $0x80, s28, s8, $0xb8;
	[tilespmem:$0x15900] =	vst v63  }
.LBB2_5:
0x4c: {  	_ =	sfence.sel $0x180000  }
0x4d: {  	[bflag:$0x0] =	sbarrier.arrive $0xFFFF  }
0x4e: {  	p0 =	sne.s32 s0, $0x0;
	_ =	strace $0x90000047  }
0x4f: {  	s0 =	sadd.s32 @!p0 $0x100000, s1;
	[bflag:$0x2] =	sbarrier.arrive $0xFFFF  }
0x50: {  	[sflag:s0] =	ssyncadd.tile.s32 @!p0 $0x1;
	_ =	shalt  }
.Lfunc_end2:
_tile_overlayer_lowered:
.L_overlay_start_2:
0x51: {  	(tag) =	ssettag $0x2  }
0x52: {  	s0 =	rddreg [dreg:$0x0];
	s2 =	stileid.u32  }
0x53: {  	s1 =	rddreg [dreg:$0x1];
	p0 =	sne.s32 s2, $0x0  }
0x54: {  	s3 =	rddreg [dreg:$0x2];
	[bflag:$0x3] =	sbarrier.arrive $0xFFFF;
	s2 =	simm.s32 @!p0 $0x1C0B  }
0x55: {  	[timem:s3], [sflag:s2] =	dma.local @!p0 [hbm:s0], s1  }
0x56: {  	s0 =	simm.s32 @!p0 $0xB  }
0x57: {  	_ =	swait.ge @!p0 [sflag:s0], s1  }
0x58: {  	s1 =	ssub.s32 @!p0 $0x0, s1;
	[sflag:s0] =	ssyncset.done @!p0 $0x0  }
0x59: {  	[sflag:s0] =	ssyncadd.s32 @!p0 s1  }
0x5a: {  	[bflag:$0x3] =	sbarrier.arrive $0xFFFF  }
0x5b: {  	_ =	shalt  }

// kernel: sparse-core-data-format-call.cloned.1.call-start
scs
called_computation_lowered:
.L_overlay_start_0:
0x0: {  	s2 =	sld [smem:$0x3FD9]  }
0x1: {  	s3 =	sld [smem:$0x3FFE];
	_ =	sdelay $0x1  }
0x2: {  	s1 =	srdreg.scid  }
0x3: {  	s0 =	sand.u32 $0x1, s1  }
0x4: {  	s18 =	sshll.u32 s0, $0xA;
	s2 =	sadd.s32 s3, s2  }
0x5: {  	s2 =	sadd.s32 s2, s18  }
0x6: {  	[smem:$0x3FC6] =	sst s2  }
0x7: {  	_ = 	snop  }
0x8: {  	s2 =	sld [smem:$0x3FD0];
	(tm) =	ssettm $0x1  }
0x9: {  	s19 =	sld [smem:$0x3FFB];
	_ =	sdelay $0x3  }
0xa: {  	_ =	strace s19  }
0xb: {  	s3 =	sld [smem:$0x3FFC];
	_ =	sdelay $0x3  }
0xc: {  	_ =	strace s3  }
0xd: {  	s3 =	sld [smem:$0x3FFD];
	_ =	sdelay $0x3  }
0xe: {  	_ =	strace s3  }
0xf: {  	_ =	strace $0x8FFFFFFF  }
0x10: {  	s20 =	sld [smem:$0x3FDB];
	_ =	sdelay $0x1  }
0x11: {  	s4 =	simm.s32 $_scs_section_size  }
0x12: {  	s5 =	simm.s32 $_size__tile_overlayer_lowered;
	s6 =	simm.s32 $_tile_overlayer_lowered  }
0x13: {  	s23 =	simm.s32 $0x1BFF;
	s22 =	sshll.u32 s6, $0x1;
	s3 =	sadd.s32 s4, s20  }
0x14: {  	s7 =	simm.s32 $0x0;
	s21 =	sshll.u32 s5, $0x1;
	s5 =	sadd.s32 s22, s3  }
0x15: {  	[timem:s7], [sflag:s23] =	dma.local [hbm:s5], s21  }
0x16: {  	_ =	swait.ge [sflag:s23], s21  }
0x17: {  	s4 =	ssub.s32 $0x0, s21;
	[sflag:s23] =	ssyncset.done $0x0  }
0x18: {  	[sflag:s23] =	ssyncadd.s32 s4;
	_ =	sdelay $0x1  }
0x19: {  	s24 =	simm.s32 $0x1B8B  }
0x1a: {  	_ =	swait.ge [sflag:s24], $0x1  }
0x1b: {  	[sflag:s24] =	ssyncset.done $0x0  }
0x1c: {  	s26 =	simm.s32 $0x1B8E;
	s25 =	sld [smem:$0x3FFE];
	[sflag:s24] =	ssyncadd.s32 $0xFFFFFFFF  }
0x1d: {  	s27 =	simm.s32 $execute0_lowered;
	[smem:$0x3FD2] =	sst s26  }
0x1e: {  	s5 =	sshll.u32 s27, $0x1;
	_ =	strace $0x80000049;
	[dreg:$0x1] =	wrdreg $0xFFFFFFFF  }
0x1f: {  	s28 =	simm.s32 $_size_execute0_lowered;
	s3 =	sadd.s32 s3, s5;
	[dreg:$0x0] =	wrdreg $0x0  }
0x20: {  	s5 =	sshll.u32 s28, $0x1;
	[dreg:$0x2] =	wrdreg s3  }
0x21: {  	[dreg:$0x3] =	wrdreg s5  }
0x22: {  	[dreg:$0x4] =	wrdreg $0xC0  }
0x23: {  	_ =	task [dreg:s7], $0x5FFFF  }
0x24: {  	[dreg:$0x1] =	wrdreg $0xFFFFFFFF  }
0x25: {  	[dreg:$0x0] =	wrdreg $0x60  }
0x26: {  	[dreg:$0x2] =	wrdreg s25  }
0x27: {  	[dreg:$0x3] =	wrdreg s2  }
0x28: {  	[dreg:$0x4] =	wrdreg $0x9  }
0x29: {  	_ =	task.clear_ibuf [dreg:s7], $0x5FFFF;
	_ =	strace $0x90000049  }
0x2a: {  	s29 =	simm.s32 $0x9;
	_ =	strace $0x8000004B  }
0x2b: {  	_ =	swait.ge [sflag:s29], $0x1  }
0x2c: {  	[sflag:s29] =	ssyncadd.s32 $0xFFFFFFFF  }
0x2d: {  	_ =	strace $0x9000004B  }
0x2e: {  	_ =	sfence  }
0x2f: {  	s30 =	sld [smem:$0x0];
	_ =	sdelay $0x2  }
0x30: {  	s31 =	sshll.u32 s1, $0xD;
	s1 =	sshrl.u32 s1, $0x2  }
0x31: {  	s3 =	sand.u32 $0x4000, s31;
	s1 =	sadd.s32 s1, s30  }
0x32: {  	s0 =	sor.u32 s3, s0;
	s1 =	sshll.u32 s1, $0x11  }
0x33: {  	s0 =	sor.u32 s1, s0  }
0x34: {  	s0 =	sadd.s32 $0x8F2B, s0  }
0x35: {  	[sflag:s0] =	ssyncadd.remote.s32 $0x1  }
0x36: {  	_ =	sfence.sel $0xFFFF  }
0x37: {  	[dreg:$0x0] =	wrdreg $0xFFFFFFFF;
	(pc) =	sbr.abs _section_cstart, $3  }
0x38: {  	[dreg:$0x1] =	wrdreg $0xFFFFFFFF  }
0x39: {  	_ =	task.clear_ibuf [dreg:s7], $0x2FFFF;
	_ =	strace $0x9FFFFFFF  }
0x3a: {  	(tm) =	ssettm $0x7FFFFFFF  }
0x3b: {  	_ =	shalt  }
tec
execute0_lowered:
.L_overlay_start_1:
0x0: {  	(tag) =	ssettag $0x1  }
0x1: {  	s0 =	srdreg.scid  }
0x2: {  	s1 =	sshll.u32 s0, $0x4  }
0x3: {  	s0 =	stileid.u32;
	s1 =	sand.u32 $0x10, s1  }
0x4: {  	s1 =	sor.u32 s0, s1  }
0x5: {  	s6 =	rddreg [dreg:$0x0];
	s4 =	simm.s32 $0x1;
	s2 =	sshll.u32 s1, $0x6  }
0x6: {  	s7 =	simm.s32 $0x2;
	s13 =	simm.s32 $0x0;
	s1 =	ssub.s32 $0x1000, s2  }
0x7: {  	s8 =	simm.s32 $0x2000;
	s9 =	simm.s32 $0x80000;
	s3 =	sand.u32 $0x7C0, s1  }
0x8: {  	s14 =	simm.s32 $0x0;
	s5 =	sshrl.u32 s1, $0xB;
	p0 =	sne.s32 s3, $0x0  }
.Ltmp0:
0x9: {  	s1 =	rddreg [dreg:$0x2];
	s4 =	simm.s32 @!p0 $0x0;
	(pc) =	sbr.rel .LBB1_1-.Ltmp0, $4  }
0xa: {  	s10 =	simm.s32 $0x0;
	s3 =	rddreg [dreg:$0x1];
	s5 =	sadd.s32 s4, s5  }
0xb: {  	_ =	strace $0x8000004A;
	s4 =	simm.s32 $0x1;
	s5 =	smul.u32 $0x19, s5  }
0xc: {  	s12 =	simm.s32 $0x0;
	s6 =	sadd.s32 $0x800, s6;
	[sflag:s4] =	ssyncpa.u1 $0x0  }
0xd: {  	s11 =	smov.u32 s2;
	[sflag:s7] =	ssyncpa.u1 $0x0;
	s7 =	sadd.s32 $0x1, s5  }
.LBB1_7:
0xe: {  	s15 =	sadd.s32 $0x2, s10  }
0xf: {  	s13 =	sadd.s32 $0x800, s11;
	s17 =	smov.u32 s11;
	p1 =	sgt.s32 s15, $0x31  }
0x10: {  	s17 =	smov.u32 @p1 s13  }
0x11: {  	s15 =	simm.s32 @p1 $0x0;
	p1 =	sgt.s32 s17, $0xFFF  }
0x12: {  	s17 =	smov.u32 @p1 s2;
	p1 =	sne.s32 s12, s7  }
.Ltmp1:
0x13: {  	p0 =	slt.u32 s12, $0x2;
	(pc) =	sbr.rel @!p1 .LBB1_8-.Ltmp1, $4  }
0x14: {  	s16 =	simm.s32 @!p0 $0x2  }
0x15: {  	s14 =	smov.u32 s11;
	_ =	swait.ge @!p0 [sflag:s16], $0x4000  }
0x16: {  	s13 =	smov.u32 s10;
	[sflag:s16] =	ssyncset.done @!p0 $0x0;
	s10 =	smov.u32 s15  }
0x17: {  	s12 =	sadd.s32 $0x1, s12;
	[sflag:s16] =	ssyncadd.s32 @!p0 $0xFFFFC000;
	s11 =	smov.u32 s17  }
.LBB1_1:
0x18: {  	p0 =	sge.u32 s12, s5  }
0x19: {  	s15 =	sand.u32 @!p0 $0x1FFFFFF, s10  }
0x1a: {  	s16 =	smulhi.u32 @!p0 $0x4924925, s15;
	_ =	sdelay $0x1  }
0x1b: {  	s16 =	smul.u32 @!p0 $0x38, s16  }
0x1c: {  	s17 =	sxor.u32 @!p0 $0xFFFFFFFF, s12;
	s18 =	smul.u32 @!p0 $0x380, s11  }
0x1d: {  	s31 =	sadd.s32 $0xFFFFFFFF, s12;
	s17 =	sshll.u32 @!p0 s17, $0xE;
	s15 =	ssub.s32 @!p0 s15, s16  }
0x1e: {  	s16 =	sand.u32 @!p0 $0x4000, s17;
	s17 =	sadd.s32 @!p0 s6, s18;
	s15 =	sshll.u32 @!p0 s15, $0x4  }
0x1f: {  	s18 =	simm.s32 @!p0 $0x1C00;
	s15 =	sadd.s32 @!p0 s15, s17;
	s17 =	simm.s32 @!p0 $0x100  }
0x20: {  	[tilespmem:s16], [sflag:$0x1] =	stream.strided.gather @!p0 [hbm4b:s15+s17], $0x4000, s18, s17, $0x38;
	[tilespmem:$0x10000] =	vst v63  }
0x21: {  	p0 =	sge.u32 s31, s5  }
.Ltmp2:
0x22: {  	_ = 	snop;
	(pc) =	sbr.rel @p0 .LBB1_7-.Ltmp2, $1  }
0x23: {  	_ =	sdelay $0x3  }
0x24: {  	_ =	swait.ge [sflag:s4], $0x4000;
	s15 =	sshll.u32 s12, $0xE  }
0x25: {  	[sflag:s4] =	ssyncset.done $0x0;
	s16 =	sand.u32 $0x4000, s15  }
0x26: {  	s17 =	simm.s32 $0x0;
	[sflag:s4] =	ssyncadd.s32 $0xFFFFC000;
	s15 =	sor.u32 $0x8000, s16  }
.LBB1_3:
0x27: {  	s18 =	sshll.u32 s17, $0x8  }
0x28: {  	s18 =	sand.u32 $0x3FFFFF00, s18  }
0x29: {  	s19 =	sshll.u32 s17, $0x7;
	s18 =	sadd.s32 s18, s16  }
0x2a: {  	s19 =	sand.u32 $0x3FFFFF80, s19;
	v0 =	vmov s18  }
0x2b: {  	s19 =	sadd.s32 s19, s15  }
0x2c: {  	p0 =	por $0x1, $0x1;
	v1 =	vmov s19;
	s18 =	simm.s32 $0x0  }
.LBB1_4:
0x2d: {  	s19 =	sshll.u32 s18, $0x7  }
0x2e: {  	s19 =	sand.u32 $0x3FFFFF80, s19  }
0x2f: {  	v2 =	vld.idx.msk [tilespmem:v0+s19+$0x0 ss:$0x1], $0xffff  }
0x30: {  	v3 =	vld.idx.msk [tilespmem:v0+s19+$0x10 ss:$0x1], $0xffff  }
0x31: {  	v4 =	vld.idx.msk [tilespmem:v0+s19+$0x20 ss:$0x1], $0xffff  }
0x32: {  	s31 =	sshll.u32 s18, $0xD;
	v5 =	vld.idx.msk [tilespmem:v0+s19+$0x30 ss:$0x1], $0xffff  }
0x33: {  	s18 =	sand.u32 $0x3FFFE000, s31;
	v6 =	vld.idx.msk [tilespmem:v0+s19+$0x40 ss:$0x1], $0xffff  }
0x34: {  	v63 =	vld.idx.msk [tilespmem:v0+s19+$0x70 ss:$0x1], $0xffff;
	[tilespmem:v1+s18+$0x0 ss:$0x1] =	vst.idx.msk $0xffff, v2  }
0x35: {  	v2 =	vld.idx.msk [tilespmem:v0+s19+$0x50 ss:$0x1], $0xffff;
	[tilespmem:v1+s18+$0x10 ss:$0x1] =	vst.idx.msk $0xffff, v3  }
0x36: {  	p1 =	por p0, p0;
	v3 =	vld.idx.msk [tilespmem:v0+s19+$0x60 ss:$0x1], $0xffff;
	[tilespmem:v1+s18+$0x20 ss:$0x1] =	vst.idx.msk $0xffff, v4  }
.Ltmp3:
0x37: {  	[tilespmem:v1+s18+$0x30 ss:$0x1] =	vst.idx.msk $0xffff, v5;
	(pc) =	sbr.rel @p1 .LBB1_4-.Ltmp3, $4  }
0x38: {  	[tilespmem:v1+s18+$0x40 ss:$0x1] =	vst.idx.msk $0xffff, v6  }
0x39: {  	[tilespmem:v1+s18+$0x70 ss:$0x1] =	vst.idx.msk $0xffff, v63  }
0x3a: {  	[tilespmem:v1+s18+$0x50 ss:$0x1] =	vst.idx.msk $0xffff, v2  }
0x3b: {  	p0 =	por $0x0, $0x0;
	[tilespmem:v1+s18+$0x60 ss:$0x1] =	vst.idx.msk $0xffff, v3;
	s18 =	simm.s32 $0x1  }
0x3c: {  	s17 =	sadd.s32 $0x1, s17  }
0x3d: {  	p0 =	sne.s32 s17, $0x40  }
.Ltmp4:
0x3e: {  	_ = 	snop;
	(pc) =	sbr.rel @p0 .LBB1_3-.Ltmp4, $1  }
0x3f: {  	_ =	sdelay $0x3  }
.Ltmp5:
0x40: {  	s14 =	sshll.u32 s14, $0x4;
	(pc) =	sbr.rel .LBB1_7-.Ltmp5, $4  }
0x41: {  	s14 =	sand.u32 $0xFFF0, s14  }
0x42: {  	s13 =	sshll.u32 s13, $0x10;
	s14 =	sadd.s32 s3, s14  }
0x43: {  	s13 =	sadd.s32 s13, s14  }
0x44: {  	[hbm4b:s13+s8] =	stream.strided.scatter [tilespmem:s15], [sflag:$0x2], $0x4000, s9, s8, $0x38;
	[tilespmem:$0x10000] =	vst v63  }
.LBB1_8:
0x45: {  	_ =	sfence.sel $0x180000  }
0x46: {  	s2 =	simm.s32 $0x1;
	[bflag:$0x0] =	sbarrier.arrive $0xFFFF  }
0x47: {  	s31 =	simm.s32 $0x2;
	[sflag:s2] =	ssyncpa.u1 $0x1  }
0x48: {  	[sflag:s31] =	ssyncpa.u1 $0x1  }
0x49: {  	p0 =	sne.s32 s0, $0x0;
	_ =	strace $0x9000004A  }
0x4a: {  	s0 =	sadd.s32 @!p0 $0x100000, s1;
	[bflag:$0x2] =	sbarrier.arrive $0xFFFF  }
0x4b: {  	[sflag:s0] =	ssyncadd.tile.s32 @!p0 $0x1;
	_ =	shalt  }
.Lfunc_end1:
_tile_overlayer_lowered:
.L_overlay_start_2:
0x4c: {  	(tag) =	ssettag $0x2  }
0x4d: {  	s0 =	rddreg [dreg:$0x0];
	s2 =	stileid.u32  }
0x4e: {  	s1 =	rddreg [dreg:$0x1];
	p0 =	sne.s32 s2, $0x0  }
0x4f: {  	s3 =	rddreg [dreg:$0x2];
	[bflag:$0x3] =	sbarrier.arrive $0xFFFF;
	s2 =	simm.s32 @!p0 $0x1C01  }
0x50: {  	[timem:s3], [sflag:s2] =	dma.local @!p0 [hbm:s0], s1  }
0x51: {  	s0 =	simm.s32 @!p0 $0x1  }
0x52: {  	_ =	swait.ge @!p0 [sflag:s0], s1  }
0x53: {  	s1 =	ssub.s32 @!p0 $0x0, s1;
	[sflag:s0] =	ssyncset.done @!p0 $0x0  }
0x54: {  	[sflag:s0] =	ssyncadd.s32 @!p0 s1  }
0x55: {  	[bflag:$0x3] =	sbarrier.arrive $0xFFFF  }
0x56: {  	_ =	shalt  }

</sc_bundles>
